<compile_context>
chip_gen: v7x
topology: tpu7x:2x2x1
jax: 0.10.2.dev20260603
libtpu: 0.0.44.dev20260713+nightly
codegen_flags: <defaults>
</compile_context>

<pallas_src>
import functools

import jax
import jax.numpy as jnp
from jax import lax
from jax.experimental import pallas as pl
from jax.experimental.pallas import tpu as pltpu
from jax.experimental.pallas import tpu_sc as plsc

_N = 10000
_E = 320000
_F = 128
_H = 32
_G = 128
_C = 10

_NC = 2
_NS = 16
_NW = _NC * _NS
_EPW = _E // _NW
_CH = 128
_NFULL = _EPW // _CH
_TAIL = _EPW - _NFULL * _CH
_RPT = 624
_REM = _N - _NS * _RPT


def _sc_agg_body(h_hbm, z_hbm, src_hbm, dst_hbm, out_hbm,
                 si, di, rows, sit, dit, rowst, acc, sem):
    cid = lax.axis_index("c")
    sid = lax.axis_index("s")
    wid = cid * _NS + sid
    r0 = sid * _RPT
    pltpu.sync_copy(z_hbm.at[pl.ds(r0, _RPT)], acc.at[pl.ds(r0, _RPT)])

    @pl.when(sid == _NS - 1)
    def _():
        pltpu.sync_copy(z_hbm.at[pl.ds(_NS * _RPT, _REM)],
                        acc.at[pl.ds(_NS * _RPT, _REM)])

    plsc.subcore_barrier()
    base = wid * _EPW

    @pl.loop(0, _NFULL)
    def _(j):
        off = base + j * _CH
        pltpu.sync_copy(src_hbm.at[pl.ds(off, _CH)], si)
        pltpu.sync_copy(dst_hbm.at[pl.ds(off, _CH)], di)
        pltpu.async_copy(h_hbm.at[si], rows, sem).wait()
        pltpu.sync_copy(rows, acc.at[di], add=True)

    offt = base + _NFULL * _CH
    pltpu.sync_copy(src_hbm.at[pl.ds(offt, _TAIL)], sit)
    pltpu.sync_copy(dst_hbm.at[pl.ds(offt, _TAIL)], dit)
    pltpu.async_copy(h_hbm.at[sit], rowst, sem).wait()
    pltpu.sync_copy(rowst, acc.at[dit], add=True)

    plsc.subcore_barrier()
    pltpu.sync_copy(acc.at[pl.ds(r0, _RPT)],
                    out_hbm.at[cid, pl.ds(r0, _RPT)])

    @pl.when(sid == _NS - 1)
    def _():
        pltpu.sync_copy(acc.at[pl.ds(_NS * _RPT, _REM)],
                        out_hbm.at[cid, pl.ds(_NS * _RPT, _REM)])


def _sc_agg(h, zeros, src, dst, width):
    mesh = plsc.VectorSubcoreMesh(core_axis_name="c", subcore_axis_name="s",
                                  num_cores=_NC, num_subcores=_NS)
    f = pl.kernel(
        _sc_agg_body,
        out_type=jax.ShapeDtypeStruct((_NC, _N, width), jnp.float32),
        mesh=mesh,
        scratch_types=[
            pltpu.VMEM((_CH,), jnp.int32),
            pltpu.VMEM((_CH,), jnp.int32),
            pltpu.VMEM((_CH, width), jnp.float32),
            pltpu.VMEM((_TAIL,), jnp.int32),
            pltpu.VMEM((_TAIL,), jnp.int32),
            pltpu.VMEM((_TAIL, width), jnp.float32),
            pltpu.VMEM_SHARED((_N, width), jnp.float32),
            pltpu.SemaphoreType.DMA,
        ],
        compiler_params=pltpu.CompilerParams(use_tc_tiling_on_sc=False),
    )
    return f(h, zeros, src, dst)


def _dot(a, b, prec=jax.lax.Precision.DEFAULT):
    return jnp.dot(a, b, preferred_element_type=jnp.float32, precision=prec)


def _mlp_bn(h, p0, p1, w1, b1, w2, b2, g, be):
    m = h + (p0 + p1)
    t = jnp.maximum(_dot(m, w1) + b1, 0.0)
    t = _dot(t, w2) + b2
    t = jnp.maximum(t, 0.0)
    mu = jnp.mean(t, axis=0, keepdims=True)
    var = jnp.mean((t - mu) * (t - mu), axis=0, keepdims=True)
    return g * (t - mu) / jnp.sqrt(var + 1e-5) + be


def _layer_body(h_ref, p_ref, w1_ref, b1_ref, w2_ref, b2_ref, g_ref, be_ref,
                o_ref):
    o_ref[...] = _mlp_bn(h_ref[...], p_ref[0], p_ref[1], w1_ref[...],
                         b1_ref[...], w2_ref[...], b2_ref[...], g_ref[...],
                         be_ref[...])


def _final_body(h_ref, p_ref, w1_ref, b1_ref, w2_ref, b2_ref, g_ref, be_ref,
                batch_ref, fc1w_ref, fc1b_ref, fc2w_ref, fc2b_ref, o_ref):
    h = _mlp_bn(h_ref[...], p_ref[0], p_ref[1], w1_ref[...], b1_ref[...],
                w2_ref[...], b2_ref[...], g_ref[...], be_ref[...])
    seg = batch_ref[...]
    onehot = (seg == lax.broadcasted_iota(jnp.int32, (_N, _G), 1)
              ).astype(jnp.float32)
    pooled = lax.dot_general(onehot, h, (((0,), (0,)), ((), ())),
                             preferred_element_type=jnp.float32,
                             precision=jax.lax.Precision.HIGHEST)
    z = jnp.maximum(_dot(pooled, fc1w_ref[...]) + fc1b_ref[...], 0.0)
    logits = _dot(z, fc2w_ref[...]) + fc2b_ref[...]
    mx = jnp.max(logits, axis=-1, keepdims=True)
    s = logits - mx
    o_ref[...] = s - jnp.log(jnp.sum(jnp.exp(s), axis=-1, keepdims=True))


def _tc(body, out_shape, *args):
    return pl.pallas_call(
        body, out_shape=jax.ShapeDtypeStruct(out_shape, jnp.float32))(*args)


def kernel(x, edge_index, batch,
           W1_0, b1_0, W2_0, b2_0, gamma_0, beta_0,
           W1_1, b1_1, W2_1, b2_1, gamma_1, beta_1,
           W1_2, b1_2, W2_2, b2_2, gamma_2, beta_2,
           fc1_W, fc1_b, fc2_W, fc2_b):
    src = edge_index[0]
    dst = edge_index[1]
    zeros_f = jnp.zeros((_N, _F), jnp.float32)
    zeros_h = jnp.zeros((_N, _H), jnp.float32)
    batch2d = batch.reshape(_N, 1)
    r2 = lambda v: v.reshape(1, -1)

    p = _sc_agg(x, zeros_f, src, dst, _F)
    h = _tc(_layer_body, (_N, _H), x, p, W1_0, r2(b1_0), W2_0, r2(b2_0),
            r2(gamma_0), r2(beta_0))
    p = _sc_agg(h, zeros_h, src, dst, _H)
    h = _tc(_layer_body, (_N, _H), h, p, W1_1, r2(b1_1), W2_1, r2(b2_1),
            r2(gamma_1), r2(beta_1))
    p = _sc_agg(h, zeros_h, src, dst, _H)
    return _tc(_final_body, (_G, _C), h, p, W1_2, r2(b1_2), W2_2, r2(b2_2),
               r2(gamma_2), r2(beta_2), batch2d, fc1_W, r2(fc1_b),
               fc2_W, r2(fc2_b))

# --- scband reference (transcript-rebuilt; emitter-appended) ---
"""Pipeline reference for scband-gin-graph-33088428049205 (READ-ONLY COPY).

The authoritative reference and input builder live on the scoring server;
editing this copy changes nothing except your own understanding.
"""

import jax, jax.numpy as jnp
import numpy as np

N = 10000
E = 320000
F_IN = 128
H = 32
C = 10
G = 128
L = 3  # num_layers - 1 conv layers


def setup_inputs(seed: int = 0) -> dict:
    key = jax.random.key(seed)
    ks = jax.random.split(key, 32)
    inp = {}
    inp["x"] = jax.random.normal(ks[0], (N, F_IN), dtype=jnp.float32)
    inp["edge_index"] = jax.random.randint(ks[1], (2, E), 0, N, dtype=jnp.int32)
    inp["batch"] = jnp.sort(jax.random.randint(ks[2], (N,), 0, G, dtype=jnp.int32))
    k = 3
    for l in range(L):
        din = F_IN if l == 0 else H
        s1 = 1.0 / np.sqrt(din)
        s2 = 1.0 / np.sqrt(H)
        inp[f"W1_{l}"] = jax.random.uniform(ks[k], (din, H), minval=-s1, maxval=s1, dtype=jnp.float32); k += 1
        inp[f"b1_{l}"] = jax.random.uniform(ks[k], (H,), minval=-s1, maxval=s1, dtype=jnp.float32); k += 1
        inp[f"W2_{l}"] = jax.random.uniform(ks[k], (H, H), minval=-s2, maxval=s2, dtype=jnp.float32); k += 1
        inp[f"b2_{l}"] = jax.random.uniform(ks[k], (H,), minval=-s2, maxval=s2, dtype=jnp.float32); k += 1
        inp[f"gamma_{l}"] = jnp.ones((H,), dtype=jnp.float32)
        inp[f"beta_{l}"] = jnp.zeros((H,), dtype=jnp.float32)
    s = 1.0 / np.sqrt(H)
    inp["fc1_W"] = jax.random.uniform(ks[k], (H, H), minval=-s, maxval=s, dtype=jnp.float32); k += 1
    inp["fc1_b"] = jax.random.uniform(ks[k], (H,), minval=-s, maxval=s, dtype=jnp.float32); k += 1
    inp["fc2_W"] = jax.random.uniform(ks[k], (H, C), minval=-s, maxval=s, dtype=jnp.float32); k += 1
    inp["fc2_b"] = jax.random.uniform(ks[k], (C,), minval=-s, maxval=s, dtype=jnp.float32); k += 1
    return inp


def _forward(x, edge_index, batch, params, fc1_W, fc1_b, fc2_W, fc2_b):
    src = edge_index[0]
    dst = edge_index[1]
    h = x
    for l in range(L):
        W1, b1, W2, b2, g, b = params[l]
        # GINConv, eps=0: (1+eps)*x_i + sum_{j in N(i)} x_j
        agg = jnp.zeros_like(h).at[dst].add(h[src])
        m = h + agg
        m = jnp.maximum(m @ W1 + b1, 0.0) @ W2 + b2
        # outer ReLU
        m = jnp.maximum(m, 0.0)
        # BatchNorm1d with batch statistics
        mean = m.mean(axis=0)
        var = m.var(axis=0)
        h = g * (m - mean) / jnp.sqrt(var + 1e-5) + b
    pooled = jax.ops.segment_sum(h, batch, num_segments=G)
    out = jnp.maximum(pooled @ fc1_W + fc1_b, 0.0)
    # dropout is identity in eval mode
    logits = out @ fc2_W + fc2_b
    return jax.nn.log_softmax(logits, axis=-1)


def reference(x, edge_index, batch,
              W1_0, b1_0, W2_0, b2_0, gamma_0, beta_0,
              W1_1, b1_1, W2_1, b2_1, gamma_1, beta_1,
              W1_2, b1_2, W2_2, b2_2, gamma_2, beta_2,
              fc1_W, fc1_b, fc2_W, fc2_b):
    params = [
        (W1_0, b1_0, W2_0, b2_0, gamma_0, beta_0),
        (W1_1, b1_1, W2_1, b2_1, gamma_1, beta_1),
        (W1_2, b1_2, W2_2, b2_2, gamma_2, beta_2),
    ]
    return _forward(x, edge_index, batch, params, fc1_W, fc1_b, fc2_W, fc2_b)

if __name__ == "__main__":
    import jax
    _d = setup_inputs()
    print(jax.jit(kernel)(*tuple(_d.values())))

</pallas_src>

<mosaic_0001>
#map = affine_map<(d0, d1) -> (0, 0)>
#map1 = affine_map<(d0, d1) -> (0)>
#map2 = affine_map<(d0, d1) -> (0, 0, 0)>
module attributes {stable_mosaic.version = 14 : i64} {
  func.func @_sc_agg_body(%arg0: i32, %arg1: i32, %arg2: memref<10000x32xf32, #tpu.memory_space<hbm>>, %arg3: memref<10000x32xf32, #tpu.memory_space<hbm>>, %arg4: memref<320000xi32, #tpu.memory_space<hbm>>, %arg5: memref<320000xi32, #tpu.memory_space<hbm>>, %arg6: memref<2x10000x32xf32, #tpu.memory_space<hbm>>, %arg7: memref<128xi32, #tpu.memory_space<vmem>>, %arg8: memref<128xi32, #tpu.memory_space<vmem>>, %arg9: memref<128x32xf32, #tpu.memory_space<vmem>>, %arg10: memref<16xi32, #tpu.memory_space<vmem>>, %arg11: memref<16xi32, #tpu.memory_space<vmem>>, %arg12: memref<16x32xf32, #tpu.memory_space<vmem>>, %arg13: memref<10000x32xf32, #tpu.memory_space<vmem_shared>>, %arg14: memref<!tpu.dma_semaphore, #tpu.memory_space<semaphore_mem>>) attributes {dimension_semantics = [#tpu.dimension_semantics<core_parallel>, #tpu.dimension_semantics<subcore_parallel>], iteration_bounds = array<i64: 2, 16>, scalar_prefetch = 0 : i64, scratch_operands = 8 : i64, tpu.core_type = #tpu.core_type<sc_vector_subcore>, window_params = [{transform_indices = #map}, {transform_indices = #map}, {transform_indices = #map1}, {transform_indices = #map1}, {transform_indices = #map2}]} {
    %mul3A = arith.constant 16 : i32
    %mul3A_0 = arith.muli %arg0, %mul3A : i32
    %add3A = arith.addi %mul3A_0, %arg1 : i32
    %mul3A_1 = arith.constant 624 : i32
    %mul3A_2 = arith.muli %arg1, %mul3A_1 : i32
    "tpu.region"() ({
      %run_scoped3A = tpu.sem_alloc : memref<!tpu.dma_semaphore, #tpu.memory_space<semaphore_mem>>
      %dma_start3A_23 = arith.constant 0 : i32
      %dma_start3A_24 = tpu.memref_slice %arg13[%mul3A_2, %dma_start3A_23] : memref<10000x32xf32, #tpu.memory_space<vmem_shared>> -> memref<624x32xf32, #tpu.memory_space<vmem_shared>>
      %dma_start3A_25 = arith.constant 0 : i32
      %dma_start3A_26 = tpu.memref_slice %arg3[%mul3A_2, %dma_start3A_25] : memref<10000x32xf32, #tpu.memory_space<hbm>> -> memref<624x32xf32, #tpu.memory_space<hbm>>
      tpu.enqueue_dma source(%dma_start3A_26 : memref<624x32xf32, #tpu.memory_space<hbm>>) target(%dma_start3A_24 : memref<624x32xf32, #tpu.memory_space<vmem_shared>>) target_semaphore(%run_scoped3A : memref<!tpu.dma_semaphore, #tpu.memory_space<semaphore_mem>>)
      %dma_wait3A_27 = arith.constant 0 : i32
      %dma_wait3A_28 = tpu.memref_slice %arg13[%mul3A_2, %dma_wait3A_27] : memref<10000x32xf32, #tpu.memory_space<vmem_shared>> -> memref<624x32xf32, #tpu.memory_space<vmem_shared>>
      %dma_wait3A_29 = arith.constant 0 : i32
      %dma_wait3A_30 = tpu.memref_slice %arg3[%mul3A_2, %dma_wait3A_29] : memref<10000x32xf32, #tpu.memory_space<hbm>> -> memref<624x32xf32, #tpu.memory_space<hbm>>
      tpu.wait_dma2 semaphore(%run_scoped3A : memref<!tpu.dma_semaphore, #tpu.memory_space<semaphore_mem>>) src(%dma_wait3A_30 : memref<624x32xf32, #tpu.memory_space<hbm>>) dst(%dma_wait3A_28 : memref<624x32xf32, #tpu.memory_space<vmem_shared>>)
      tpu.yield
    }) : () -> ()
    %eq3A = arith.constant 15 : i32
    %eq3A_3 = arith.cmpi eq, %arg1, %eq3A : i32
    %convert_element_type3A = arith.extui %eq3A_3 : i1 to i32
    %cond3A = arith.constant 0 : i32
    %cond3A_4 = arith.cmpi ne, %convert_element_type3A, %cond3A : i32
    scf.if %cond3A_4 {
      "tpu.region"() ({
        %run_scoped3A = tpu.sem_alloc : memref<!tpu.dma_semaphore, #tpu.memory_space<semaphore_mem>>
        %dma_start3A_23 = arith.constant 9984 : i32
        %dma_start3A_24 = arith.constant 0 : i32
        %dma_start3A_25 = tpu.memref_slice %arg13[%dma_start3A_23, %dma_start3A_24] : memref<10000x32xf32, #tpu.memory_space<vmem_shared>> -> memref<16x32xf32, #tpu.memory_space<vmem_shared>>
        %dma_start3A_26 = arith.constant 9984 : i32
        %dma_start3A_27 = arith.constant 0 : i32
        %dma_start3A_28 = tpu.memref_slice %arg3[%dma_start3A_26, %dma_start3A_27] : memref<10000x32xf32, #tpu.memory_space<hbm>> -> memref<16x32xf32, #tpu.memory_space<hbm>>
        tpu.enqueue_dma source(%dma_start3A_28 : memref<16x32xf32, #tpu.memory_space<hbm>>) target(%dma_start3A_25 : memref<16x32xf32, #tpu.memory_space<vmem_shared>>) target_semaphore(%run_scoped3A : memref<!tpu.dma_semaphore, #tpu.memory_space<semaphore_mem>>)
        %dma_wait3A_29 = arith.constant 9984 : i32
        %dma_wait3A_30 = arith.constant 0 : i32
        %dma_wait3A_31 = tpu.memref_slice %arg13[%dma_wait3A_29, %dma_wait3A_30] : memref<10000x32xf32, #tpu.memory_space<vmem_shared>> -> memref<16x32xf32, #tpu.memory_space<vmem_shared>>
        %dma_wait3A_32 = arith.constant 9984 : i32
        %dma_wait3A_33 = arith.constant 0 : i32
        %dma_wait3A_34 = tpu.memref_slice %arg3[%dma_wait3A_32, %dma_wait3A_33] : memref<10000x32xf32, #tpu.memory_space<hbm>> -> memref<16x32xf32, #tpu.memory_space<hbm>>
        tpu.wait_dma2 semaphore(%run_scoped3A : memref<!tpu.dma_semaphore, #tpu.memory_space<semaphore_mem>>) src(%dma_wait3A_34 : memref<16x32xf32, #tpu.memory_space<hbm>>) dst(%dma_wait3A_31 : memref<16x32xf32, #tpu.memory_space<vmem_shared>>)
        tpu.yield
      }) : () -> ()
    } else {
    }
    %barrier3A = arith.constant 0 : index
    tpu.barrier barrier_id(%barrier3A)
    %mul3A_5 = arith.constant 10000 : i32
    %mul3A_6 = arith.muli %add3A, %mul3A_5 : i32
    %scan3A = arith.constant 0 : i32
    %scan3A_7 = arith.constant 78 : i32
    %scan3A_8 = arith.addi %scan3A, %scan3A_7 : i32
    %scan3A_9 = arith.constant 1 : i32
    scf.for %scan3A_23 = %scan3A to %scan3A_8 step %scan3A_9  : i32 {
      %mul3A_24 = arith.constant 1 : i32
      %mul3A_25 = arith.muli %scan3A_23, %mul3A_24 : i32
      %add3A_26 = arith.constant 0 : i32
      %add3A_27 = arith.addi %add3A_26, %mul3A_25 : i32
      %mul3A_28 = arith.constant 128 : i32
      %mul3A_29 = arith.muli %add3A_27, %mul3A_28 : i32
      %add3A_30 = arith.addi %mul3A_6, %mul3A_29 : i32
      "tpu.region"() ({
        %run_scoped3A = tpu.sem_alloc : memref<!tpu.dma_semaphore, #tpu.memory_space<semaphore_mem>>
        %dma_start3A_37 = tpu.memref_slice %arg4[%add3A_30] : memref<320000xi32, #tpu.memory_space<hbm>> -> memref<128xi32, #tpu.memory_space<hbm>>
        %dma_start3A_38 = tpu.memref_slice %arg4[%add3A_30] : memref<320000xi32, #tpu.memory_space<hbm>> -> memref<128xi32, #tpu.memory_space<hbm>>
        tpu.enqueue_dma source(%dma_start3A_38 : memref<128xi32, #tpu.memory_space<hbm>>) target(%arg7 : memref<128xi32, #tpu.memory_space<vmem>>) target_semaphore(%run_scoped3A : memref<!tpu.dma_semaphore, #tpu.memory_space<semaphore_mem>>)
        %dma_wait3A_39 = tpu.memref_slice %arg4[%add3A_30] : memref<320000xi32, #tpu.memory_space<hbm>> -> memref<128xi32, #tpu.memory_space<hbm>>
        %dma_wait3A_40 = tpu.memref_slice %arg4[%add3A_30] : memref<320000xi32, #tpu.memory_space<hbm>> -> memref<128xi32, #tpu.memory_space<hbm>>
        tpu.wait_dma2 semaphore(%run_scoped3A : memref<!tpu.dma_semaphore, #tpu.memory_space<semaphore_mem>>) src(%dma_wait3A_40 : memref<128xi32, #tpu.memory_space<hbm>>) dst(%arg7 : memref<128xi32, #tpu.memory_space<vmem>>)
        tpu.yield
      }) : () -> ()
      "tpu.region"() ({
        %run_scoped3A = tpu.sem_alloc : memref<!tpu.dma_semaphore, #tpu.memory_space<semaphore_mem>>
        %dma_start3A_37 = tpu.memref_slice %arg5[%add3A_30] : memref<320000xi32, #tpu.memory_space<hbm>> -> memref<128xi32, #tpu.memory_space<hbm>>
        %dma_start3A_38 = tpu.memref_slice %arg5[%add3A_30] : memref<320000xi32, #tpu.memory_space<hbm>> -> memref<128xi32, #tpu.memory_space<hbm>>
        tpu.enqueue_dma source(%dma_start3A_38 : memref<128xi32, #tpu.memory_space<hbm>>) target(%arg8 : memref<128xi32, #tpu.memory_space<vmem>>) target_semaphore(%run_scoped3A : memref<!tpu.dma_semaphore, #tpu.memory_space<semaphore_mem>>)
        %dma_wait3A_39 = tpu.memref_slice %arg5[%add3A_30] : memref<320000xi32, #tpu.memory_space<hbm>> -> memref<128xi32, #tpu.memory_space<hbm>>
        %dma_wait3A_40 = tpu.memref_slice %arg5[%add3A_30] : memref<320000xi32, #tpu.memory_space<hbm>> -> memref<128xi32, #tpu.memory_space<hbm>>
        tpu.wait_dma2 semaphore(%run_scoped3A : memref<!tpu.dma_semaphore, #tpu.memory_space<semaphore_mem>>) src(%dma_wait3A_40 : memref<128xi32, #tpu.memory_space<hbm>>) dst(%arg8 : memref<128xi32, #tpu.memory_space<vmem>>)
        tpu.yield
      }) : () -> ()
      %dma_start3A_31 = arith.constant 0 : i32
      %dma_start3A_32 = arith.constant 0 : i32
      %dma_start3A_33 = tpu.memref_slice %arg2[%dma_start3A_31, %dma_start3A_32] : memref<10000x32xf32, #tpu.memory_space<hbm>> -> memref<10000x32xf32, #tpu.memory_space<hbm>>
      tpu.enqueue_indirect_dma source(%dma_start3A_33 : memref<10000x32xf32, #tpu.memory_space<hbm>>) target(%arg9 : memref<128x32xf32, #tpu.memory_space<vmem>>) offsets(%arg7 : memref<128xi32, #tpu.memory_space<vmem>>) semaphore(%arg14 : memref<!tpu.dma_semaphore, #tpu.memory_space<semaphore_mem>>)
      %dma_wait3A_34 = arith.constant 0 : i32
      %dma_wait3A_35 = arith.constant 0 : i32
      %dma_wait3A_36 = tpu.memref_slice %arg2[%dma_wait3A_34, %dma_wait3A_35] : memref<10000x32xf32, #tpu.memory_space<hbm>> -> memref<10000x32xf32, #tpu.memory_space<hbm>>
      tpu.wait_indirect_dma semaphore(%arg14 : memref<!tpu.dma_semaphore, #tpu.memory_space<semaphore_mem>>) src(%dma_wait3A_36 : memref<10000x32xf32, #tpu.memory_space<hbm>>) dst(%arg9 : memref<128x32xf32, #tpu.memory_space<vmem>>)
      "tpu.region"() ({
        %run_scoped3A = tpu.sem_alloc : memref<!tpu.dma_semaphore, #tpu.memory_space<semaphore_mem>>
        %dma_start3A_37 = arith.constant 0 : i32
        %dma_start3A_38 = arith.constant 0 : i32
        %dma_start3A_39 = tpu.memref_slice %arg13[%dma_start3A_37, %dma_start3A_38] : memref<10000x32xf32, #tpu.memory_space<vmem_shared>> -> memref<10000x32xf32, #tpu.memory_space<vmem_shared>>
        tpu.enqueue_indirect_dma source(%arg9 : memref<128x32xf32, #tpu.memory_space<vmem>>) target(%dma_start3A_39 : memref<10000x32xf32, #tpu.memory_space<vmem_shared>>) offsets(%arg8 : memref<128xi32, #tpu.memory_space<vmem>>) semaphore(%run_scoped3A : memref<!tpu.dma_semaphore, #tpu.memory_space<semaphore_mem>>) {add = true}
        %dma_wait3A_40 = arith.constant 0 : i32
        %dma_wait3A_41 = arith.constant 0 : i32
        %dma_wait3A_42 = tpu.memref_slice %arg13[%dma_wait3A_40, %dma_wait3A_41] : memref<10000x32xf32, #tpu.memory_space<vmem_shared>> -> memref<10000x32xf32, #tpu.memory_space<vmem_shared>>
        tpu.wait_indirect_dma semaphore(%run_scoped3A : memref<!tpu.dma_semaphore, #tpu.memory_space<semaphore_mem>>) src(%arg9 : memref<128x32xf32, #tpu.memory_space<vmem>>) dst(%dma_wait3A_42 : memref<10000x32xf32, #tpu.memory_space<vmem_shared>>)
        tpu.yield
      }) : () -> ()
    }
    %scan3A_10 = arith.constant 78 : i32
    %add3A_11 = arith.constant 9984 : i32
    %add3A_12 = arith.addi %mul3A_6, %add3A_11 : i32
    "tpu.region"() ({
      %run_scoped3A = tpu.sem_alloc : memref<!tpu.dma_semaphore, #tpu.memory_space<semaphore_mem>>
      %dma_start3A_23 = tpu.memref_slice %arg4[%add3A_12] : memref<320000xi32, #tpu.memory_space<hbm>> -> memref<16xi32, #tpu.memory_space<hbm>>
      %dma_start3A_24 = tpu.memref_slice %arg4[%add3A_12] : memref<320000xi32, #tpu.memory_space<hbm>> -> memref<16xi32, #tpu.memory_space<hbm>>
      tpu.enqueue_dma source(%dma_start3A_24 : memref<16xi32, #tpu.memory_space<hbm>>) target(%arg10 : memref<16xi32, #tpu.memory_space<vmem>>) target_semaphore(%run_scoped3A : memref<!tpu.dma_semaphore, #tpu.memory_space<semaphore_mem>>)
      %dma_wait3A_25 = tpu.memref_slice %arg4[%add3A_12] : memref<320000xi32, #tpu.memory_space<hbm>> -> memref<16xi32, #tpu.memory_space<hbm>>
      %dma_wait3A_26 = tpu.memref_slice %arg4[%add3A_12] : memref<320000xi32, #tpu.memory_space<hbm>> -> memref<16xi32, #tpu.memory_space<hbm>>
      tpu.wait_dma2 semaphore(%run_scoped3A : memref<!tpu.dma_semaphore, #tpu.memory_space<semaphore_mem>>) src(%dma_wait3A_26 : memref<16xi32, #tpu.memory_space<hbm>>) dst(%arg10 : memref<16xi32, #tpu.memory_space<vmem>>)
      tpu.yield
    }) : () -> ()
    "tpu.region"() ({
      %run_scoped3A = tpu.sem_alloc : memref<!tpu.dma_semaphore, #tpu.memory_space<semaphore_mem>>
      %dma_start3A_23 = tpu.memref_slice %arg5[%add3A_12] : memref<320000xi32, #tpu.memory_space<hbm>> -> memref<16xi32, #tpu.memory_space<hbm>>
      %dma_start3A_24 = tpu.memref_slice %arg5[%add3A_12] : memref<320000xi32, #tpu.memory_space<hbm>> -> memref<16xi32, #tpu.memory_space<hbm>>
      tpu.enqueue_dma source(%dma_start3A_24 : memref<16xi32, #tpu.memory_space<hbm>>) target(%arg11 : memref<16xi32, #tpu.memory_space<vmem>>) target_semaphore(%run_scoped3A : memref<!tpu.dma_semaphore, #tpu.memory_space<semaphore_mem>>)
      %dma_wait3A_25 = tpu.memref_slice %arg5[%add3A_12] : memref<320000xi32, #tpu.memory_space<hbm>> -> memref<16xi32, #tpu.memory_space<hbm>>
      %dma_wait3A_26 = tpu.memref_slice %arg5[%add3A_12] : memref<320000xi32, #tpu.memory_space<hbm>> -> memref<16xi32, #tpu.memory_space<hbm>>
      tpu.wait_dma2 semaphore(%run_scoped3A : memref<!tpu.dma_semaphore, #tpu.memory_space<semaphore_mem>>) src(%dma_wait3A_26 : memref<16xi32, #tpu.memory_space<hbm>>) dst(%arg11 : memref<16xi32, #tpu.memory_space<vmem>>)
      tpu.yield
    }) : () -> ()
    %dma_start3A = arith.constant 0 : i32
    %dma_start3A_13 = arith.constant 0 : i32
    %dma_start3A_14 = tpu.memref_slice %arg2[%dma_start3A, %dma_start3A_13] : memref<10000x32xf32, #tpu.memory_space<hbm>> -> memref<10000x32xf32, #tpu.memory_space<hbm>>
    tpu.enqueue_indirect_dma source(%dma_start3A_14 : memref<10000x32xf32, #tpu.memory_space<hbm>>) target(%arg12 : memref<16x32xf32, #tpu.memory_space<vmem>>) offsets(%arg10 : memref<16xi32, #tpu.memory_space<vmem>>) semaphore(%arg14 : memref<!tpu.dma_semaphore, #tpu.memory_space<semaphore_mem>>)
    %dma_wait3A = arith.constant 0 : i32
    %dma_wait3A_15 = arith.constant 0 : i32
    %dma_wait3A_16 = tpu.memref_slice %arg2[%dma_wait3A, %dma_wait3A_15] : memref<10000x32xf32, #tpu.memory_space<hbm>> -> memref<10000x32xf32, #tpu.memory_space<hbm>>
    tpu.wait_indirect_dma semaphore(%arg14 : memref<!tpu.dma_semaphore, #tpu.memory_space<semaphore_mem>>) src(%dma_wait3A_16 : memref<10000x32xf32, #tpu.memory_space<hbm>>) dst(%arg12 : memref<16x32xf32, #tpu.memory_space<vmem>>)
    "tpu.region"() ({
      %run_scoped3A = tpu.sem_alloc : memref<!tpu.dma_semaphore, #tpu.memory_space<semaphore_mem>>
      %dma_start3A_23 = arith.constant 0 : i32
      %dma_start3A_24 = arith.constant 0 : i32
      %dma_start3A_25 = tpu.memref_slice %arg13[%dma_start3A_23, %dma_start3A_24] : memref<10000x32xf32, #tpu.memory_space<vmem_shared>> -> memref<10000x32xf32, #tpu.memory_space<vmem_shared>>
      tpu.enqueue_indirect_dma source(%arg12 : memref<16x32xf32, #tpu.memory_space<vmem>>) target(%dma_start3A_25 : memref<10000x32xf32, #tpu.memory_space<vmem_shared>>) offsets(%arg11 : memref<16xi32, #tpu.memory_space<vmem>>) semaphore(%run_scoped3A : memref<!tpu.dma_semaphore, #tpu.memory_space<semaphore_mem>>) {add = true}
      %dma_wait3A_26 = arith.constant 0 : i32
      %dma_wait3A_27 = arith.constant 0 : i32
      %dma_wait3A_28 = tpu.memref_slice %arg13[%dma_wait3A_26, %dma_wait3A_27] : memref<10000x32xf32, #tpu.memory_space<vmem_shared>> -> memref<10000x32xf32, #tpu.memory_space<vmem_shared>>
      tpu.wait_indirect_dma semaphore(%run_scoped3A : memref<!tpu.dma_semaphore, #tpu.memory_space<semaphore_mem>>) src(%arg12 : memref<16x32xf32, #tpu.memory_space<vmem>>) dst(%dma_wait3A_28 : memref<10000x32xf32, #tpu.memory_space<vmem_shared>>)
      tpu.yield
    }) : () -> ()
    %barrier3A_17 = arith.constant 0 : index
    tpu.barrier barrier_id(%barrier3A_17)
    "tpu.region"() ({
      %run_scoped3A = tpu.sem_alloc : memref<!tpu.dma_semaphore, #tpu.memory_space<semaphore_mem>>
      %dma_start3A_23 = arith.constant 0 : i32
      %dma_start3A_24 = tpu.memref_slice %arg6[%arg0, %mul3A_2, %dma_start3A_23] : memref<2x10000x32xf32, #tpu.memory_space<hbm>> -> memref<1x624x32xf32, #tpu.memory_space<hbm>>
      %dma_start3A_25 = tpu.memref_squeeze %dma_start3A_24 : memref<1x624x32xf32, #tpu.memory_space<hbm>> -> memref<624x32xf32, #tpu.memory_space<hbm>>
      %dma_start3A_26 = arith.constant 0 : i32
      %dma_start3A_27 = tpu.memref_slice %arg13[%mul3A_2, %dma_start3A_26] : memref<10000x32xf32, #tpu.memory_space<vmem_shared>> -> memref<624x32xf32, #tpu.memory_space<vmem_shared>>
      tpu.enqueue_dma source(%dma_start3A_27 : memref<624x32xf32, #tpu.memory_space<vmem_shared>>) target(%dma_start3A_25 : memref<624x32xf32, #tpu.memory_space<hbm>>) target_semaphore(%run_scoped3A : memref<!tpu.dma_semaphore, #tpu.memory_space<semaphore_mem>>)
      %dma_wait3A_28 = arith.constant 0 : i32
      %dma_wait3A_29 = tpu.memref_slice %arg6[%arg0, %mul3A_2, %dma_wait3A_28] : memref<2x10000x32xf32, #tpu.memory_space<hbm>> -> memref<1x624x32xf32, #tpu.memory_space<hbm>>
      %dma_wait3A_30 = tpu.memref_squeeze %dma_wait3A_29 : memref<1x624x32xf32, #tpu.memory_space<hbm>> -> memref<624x32xf32, #tpu.memory_space<hbm>>
      %dma_wait3A_31 = arith.constant 0 : i32
      %dma_wait3A_32 = tpu.memref_slice %arg13[%mul3A_2, %dma_wait3A_31] : memref<10000x32xf32, #tpu.memory_space<vmem_shared>> -> memref<624x32xf32, #tpu.memory_space<vmem_shared>>
      tpu.wait_dma2 semaphore(%run_scoped3A : memref<!tpu.dma_semaphore, #tpu.memory_space<semaphore_mem>>) src(%dma_wait3A_32 : memref<624x32xf32, #tpu.memory_space<vmem_shared>>) dst(%dma_wait3A_30 : memref<624x32xf32, #tpu.memory_space<hbm>>)
      tpu.yield
    }) : () -> ()
    %eq3A_18 = arith.constant 15 : i32
    %eq3A_19 = arith.cmpi eq, %arg1, %eq3A_18 : i32
    %convert_element_type3A_20 = arith.extui %eq3A_19 : i1 to i32
    %cond3A_21 = arith.constant 0 : i32
    %cond3A_22 = arith.cmpi ne, %convert_element_type3A_20, %cond3A_21 : i32
    scf.if %cond3A_22 {
      "tpu.region"() ({
        %run_scoped3A = tpu.sem_alloc : memref<!tpu.dma_semaphore, #tpu.memory_space<semaphore_mem>>
        %dma_start3A_23 = arith.constant 9984 : i32
        %dma_start3A_24 = arith.constant 0 : i32
        %dma_start3A_25 = tpu.memref_slice %arg6[%arg0, %dma_start3A_23, %dma_start3A_24] : memref<2x10000x32xf32, #tpu.memory_space<hbm>> -> memref<1x16x32xf32, #tpu.memory_space<hbm>>
        %dma_start3A_26 = tpu.memref_squeeze %dma_start3A_25 : memref<1x16x32xf32, #tpu.memory_space<hbm>> -> memref<16x32xf32, #tpu.memory_space<hbm>>
        %dma_start3A_27 = arith.constant 9984 : i32
        %dma_start3A_28 = arith.constant 0 : i32
        %dma_start3A_29 = tpu.memref_slice %arg13[%dma_start3A_27, %dma_start3A_28] : memref<10000x32xf32, #tpu.memory_space<vmem_shared>> -> memref<16x32xf32, #tpu.memory_space<vmem_shared>>
        tpu.enqueue_dma source(%dma_start3A_29 : memref<16x32xf32, #tpu.memory_space<vmem_shared>>) target(%dma_start3A_26 : memref<16x32xf32, #tpu.memory_space<hbm>>) target_semaphore(%run_scoped3A : memref<!tpu.dma_semaphore, #tpu.memory_space<semaphore_mem>>)
        %dma_wait3A_30 = arith.constant 9984 : i32
        %dma_wait3A_31 = arith.constant 0 : i32
        %dma_wait3A_32 = tpu.memref_slice %arg6[%arg0, %dma_wait3A_30, %dma_wait3A_31] : memref<2x10000x32xf32, #tpu.memory_space<hbm>> -> memref<1x16x32xf32, #tpu.memory_space<hbm>>
        %dma_wait3A_33 = tpu.memref_squeeze %dma_wait3A_32 : memref<1x16x32xf32, #tpu.memory_space<hbm>> -> memref<16x32xf32, #tpu.memory_space<hbm>>
        %dma_wait3A_34 = arith.constant 9984 : i32
        %dma_wait3A_35 = arith.constant 0 : i32
        %dma_wait3A_36 = tpu.memref_slice %arg13[%dma_wait3A_34, %dma_wait3A_35] : memref<10000x32xf32, #tpu.memory_space<vmem_shared>> -> memref<16x32xf32, #tpu.memory_space<vmem_shared>>
        tpu.wait_dma2 semaphore(%run_scoped3A : memref<!tpu.dma_semaphore, #tpu.memory_space<semaphore_mem>>) src(%dma_wait3A_36 : memref<16x32xf32, #tpu.memory_space<vmem_shared>>) dst(%dma_wait3A_33 : memref<16x32xf32, #tpu.memory_space<hbm>>)
        tpu.yield
      }) : () -> ()
    } else {
    }
    return
  }
}

#map = affine_map<(d0, d1) -> (0, 0)>
#map1 = affine_map<(d0, d1) -> (0)>
#map2 = affine_map<(d0, d1) -> (0, 0, 0)>
module attributes {stable_mosaic.version = 14 : i64} {
  func.func @_sc_agg_body(%arg0: i32, %arg1: i32, %arg2: memref<10000x128xf32, #tpu.memory_space<hbm>>, %arg3: memref<10000x128xf32, #tpu.memory_space<hbm>>, %arg4: memref<320000xi32, #tpu.memory_space<hbm>>, %arg5: memref<320000xi32, #tpu.memory_space<hbm>>, %arg6: memref<2x10000x128xf32, #tpu.memory_space<hbm>>, %arg7: memref<128xi32, #tpu.memory_space<vmem>>, %arg8: memref<128xi32, #tpu.memory_space<vmem>>, %arg9: memref<128x128xf32, #tpu.memory_space<vmem>>, %arg10: memref<16xi32, #tpu.memory_space<vmem>>, %arg11: memref<16xi32, #tpu.memory_space<vmem>>, %arg12: memref<16x128xf32, #tpu.memory_space<vmem>>, %arg13: memref<10000x128xf32, #tpu.memory_space<vmem_shared>>, %arg14: memref<!tpu.dma_semaphore, #tpu.memory_space<semaphore_mem>>) attributes {dimension_semantics = [#tpu.dimension_semantics<core_parallel>, #tpu.dimension_semantics<subcore_parallel>], iteration_bounds = array<i64: 2, 16>, scalar_prefetch = 0 : i64, scratch_operands = 8 : i64, tpu.core_type = #tpu.core_type<sc_vector_subcore>, window_params = [{transform_indices = #map}, {transform_indices = #map}, {transform_indices = #map1}, {transform_indices = #map1}, {transform_indices = #map2}]} {
    %mul3A = arith.constant 16 : i32
    %mul3A_0 = arith.muli %arg0, %mul3A : i32
    %add3A = arith.addi %mul3A_0, %arg1 : i32
    %mul3A_1 = arith.constant 624 : i32
    %mul3A_2 = arith.muli %arg1, %mul3A_1 : i32
    "tpu.region"() ({
      %run_scoped3A = tpu.sem_alloc : memref<!tpu.dma_semaphore, #tpu.memory_space<semaphore_mem>>
      %dma_start3A_23 = arith.constant 0 : i32
      %dma_start3A_24 = tpu.memref_slice %arg13[%mul3A_2, %dma_start3A_23] : memref<10000x128xf32, #tpu.memory_space<vmem_shared>> -> memref<624x128xf32, #tpu.memory_space<vmem_shared>>
      %dma_start3A_25 = arith.constant 0 : i32
      %dma_start3A_26 = tpu.memref_slice %arg3[%mul3A_2, %dma_start3A_25] : memref<10000x128xf32, #tpu.memory_space<hbm>> -> memref<624x128xf32, #tpu.memory_space<hbm>>
      tpu.enqueue_dma source(%dma_start3A_26 : memref<624x128xf32, #tpu.memory_space<hbm>>) target(%dma_start3A_24 : memref<624x128xf32, #tpu.memory_space<vmem_shared>>) target_semaphore(%run_scoped3A : memref<!tpu.dma_semaphore, #tpu.memory_space<semaphore_mem>>)
      %dma_wait3A_27 = arith.constant 0 : i32
      %dma_wait3A_28 = tpu.memref_slice %arg13[%mul3A_2, %dma_wait3A_27] : memref<10000x128xf32, #tpu.memory_space<vmem_shared>> -> memref<624x128xf32, #tpu.memory_space<vmem_shared>>
      %dma_wait3A_29 = arith.constant 0 : i32
      %dma_wait3A_30 = tpu.memref_slice %arg3[%mul3A_2, %dma_wait3A_29] : memref<10000x128xf32, #tpu.memory_space<hbm>> -> memref<624x128xf32, #tpu.memory_space<hbm>>
      tpu.wait_dma2 semaphore(%run_scoped3A : memref<!tpu.dma_semaphore, #tpu.memory_space<semaphore_mem>>) src(%dma_wait3A_30 : memref<624x128xf32, #tpu.memory_space<hbm>>) dst(%dma_wait3A_28 : memref<624x128xf32, #tpu.memory_space<vmem_shared>>)
      tpu.yield
    }) : () -> ()
    %eq3A = arith.constant 15 : i32
    %eq3A_3 = arith.cmpi eq, %arg1, %eq3A : i32
    %convert_element_type3A = arith.extui %eq3A_3 : i1 to i32
    %cond3A = arith.constant 0 : i32
    %cond3A_4 = arith.cmpi ne, %convert_element_type3A, %cond3A : i32
    scf.if %cond3A_4 {
      "tpu.region"() ({
        %run_scoped3A = tpu.sem_alloc : memref<!tpu.dma_semaphore, #tpu.memory_space<semaphore_mem>>
        %dma_start3A_23 = arith.constant 9984 : i32
        %dma_start3A_24 = arith.constant 0 : i32
        %dma_start3A_25 = tpu.memref_slice %arg13[%dma_start3A_23, %dma_start3A_24] : memref<10000x128xf32, #tpu.memory_space<vmem_shared>> -> memref<16x128xf32, #tpu.memory_space<vmem_shared>>
        %dma_start3A_26 = arith.constant 9984 : i32
        %dma_start3A_27 = arith.constant 0 : i32
        %dma_start3A_28 = tpu.memref_slice %arg3[%dma_start3A_26, %dma_start3A_27] : memref<10000x128xf32, #tpu.memory_space<hbm>> -> memref<16x128xf32, #tpu.memory_space<hbm>>
        tpu.enqueue_dma source(%dma_start3A_28 : memref<16x128xf32, #tpu.memory_space<hbm>>) target(%dma_start3A_25 : memref<16x128xf32, #tpu.memory_space<vmem_shared>>) target_semaphore(%run_scoped3A : memref<!tpu.dma_semaphore, #tpu.memory_space<semaphore_mem>>)
        %dma_wait3A_29 = arith.constant 9984 : i32
        %dma_wait3A_30 = arith.constant 0 : i32
        %dma_wait3A_31 = tpu.memref_slice %arg13[%dma_wait3A_29, %dma_wait3A_30] : memref<10000x128xf32, #tpu.memory_space<vmem_shared>> -> memref<16x128xf32, #tpu.memory_space<vmem_shared>>
        %dma_wait3A_32 = arith.constant 9984 : i32
        %dma_wait3A_33 = arith.constant 0 : i32
        %dma_wait3A_34 = tpu.memref_slice %arg3[%dma_wait3A_32, %dma_wait3A_33] : memref<10000x128xf32, #tpu.memory_space<hbm>> -> memref<16x128xf32, #tpu.memory_space<hbm>>
        tpu.wait_dma2 semaphore(%run_scoped3A : memref<!tpu.dma_semaphore, #tpu.memory_space<semaphore_mem>>) src(%dma_wait3A_34 : memref<16x128xf32, #tpu.memory_space<hbm>>) dst(%dma_wait3A_31 : memref<16x128xf32, #tpu.memory_space<vmem_shared>>)
        tpu.yield
      }) : () -> ()
    } else {
    }
    %barrier3A = arith.constant 0 : index
    tpu.barrier barrier_id(%barrier3A)
    %mul3A_5 = arith.constant 10000 : i32
    %mul3A_6 = arith.muli %add3A, %mul3A_5 : i32
    %scan3A = arith.constant 0 : i32
    %scan3A_7 = arith.constant 78 : i32
    %scan3A_8 = arith.addi %scan3A, %scan3A_7 : i32
    %scan3A_9 = arith.constant 1 : i32
    scf.for %scan3A_23 = %scan3A to %scan3A_8 step %scan3A_9  : i32 {
      %mul3A_24 = arith.constant 1 : i32
      %mul3A_25 = arith.muli %scan3A_23, %mul3A_24 : i32
      %add3A_26 = arith.constant 0 : i32
      %add3A_27 = arith.addi %add3A_26, %mul3A_25 : i32
      %mul3A_28 = arith.constant 128 : i32
      %mul3A_29 = arith.muli %add3A_27, %mul3A_28 : i32
      %add3A_30 = arith.addi %mul3A_6, %mul3A_29 : i32
      "tpu.region"() ({
        %run_scoped3A = tpu.sem_alloc : memref<!tpu.dma_semaphore, #tpu.memory_space<semaphore_mem>>
        %dma_start3A_37 = tpu.memref_slice %arg4[%add3A_30] : memref<320000xi32, #tpu.memory_space<hbm>> -> memref<128xi32, #tpu.memory_space<hbm>>
        %dma_start3A_38 = tpu.memref_slice %arg4[%add3A_30] : memref<320000xi32, #tpu.memory_space<hbm>> -> memref<128xi32, #tpu.memory_space<hbm>>
        tpu.enqueue_dma source(%dma_start3A_38 : memref<128xi32, #tpu.memory_space<hbm>>) target(%arg7 : memref<128xi32, #tpu.memory_space<vmem>>) target_semaphore(%run_scoped3A : memref<!tpu.dma_semaphore, #tpu.memory_space<semaphore_mem>>)
        %dma_wait3A_39 = tpu.memref_slice %arg4[%add3A_30] : memref<320000xi32, #tpu.memory_space<hbm>> -> memref<128xi32, #tpu.memory_space<hbm>>
        %dma_wait3A_40 = tpu.memref_slice %arg4[%add3A_30] : memref<320000xi32, #tpu.memory_space<hbm>> -> memref<128xi32, #tpu.memory_space<hbm>>
        tpu.wait_dma2 semaphore(%run_scoped3A : memref<!tpu.dma_semaphore, #tpu.memory_space<semaphore_mem>>) src(%dma_wait3A_40 : memref<128xi32, #tpu.memory_space<hbm>>) dst(%arg7 : memref<128xi32, #tpu.memory_space<vmem>>)
        tpu.yield
      }) : () -> ()
      "tpu.region"() ({
        %run_scoped3A = tpu.sem_alloc : memref<!tpu.dma_semaphore, #tpu.memory_space<semaphore_mem>>
        %dma_start3A_37 = tpu.memref_slice %arg5[%add3A_30] : memref<320000xi32, #tpu.memory_space<hbm>> -> memref<128xi32, #tpu.memory_space<hbm>>
        %dma_start3A_38 = tpu.memref_slice %arg5[%add3A_30] : memref<320000xi32, #tpu.memory_space<hbm>> -> memref<128xi32, #tpu.memory_space<hbm>>
        tpu.enqueue_dma source(%dma_start3A_38 : memref<128xi32, #tpu.memory_space<hbm>>) target(%arg8 : memref<128xi32, #tpu.memory_space<vmem>>) target_semaphore(%run_scoped3A : memref<!tpu.dma_semaphore, #tpu.memory_space<semaphore_mem>>)
        %dma_wait3A_39 = tpu.memref_slice %arg5[%add3A_30] : memref<320000xi32, #tpu.memory_space<hbm>> -> memref<128xi32, #tpu.memory_space<hbm>>
        %dma_wait3A_40 = tpu.memref_slice %arg5[%add3A_30] : memref<320000xi32, #tpu.memory_space<hbm>> -> memref<128xi32, #tpu.memory_space<hbm>>
        tpu.wait_dma2 semaphore(%run_scoped3A : memref<!tpu.dma_semaphore, #tpu.memory_space<semaphore_mem>>) src(%dma_wait3A_40 : memref<128xi32, #tpu.memory_space<hbm>>) dst(%arg8 : memref<128xi32, #tpu.memory_space<vmem>>)
        tpu.yield
      }) : () -> ()
      %dma_start3A_31 = arith.constant 0 : i32
      %dma_start3A_32 = arith.constant 0 : i32
      %dma_start3A_33 = tpu.memref_slice %arg2[%dma_start3A_31, %dma_start3A_32] : memref<10000x128xf32, #tpu.memory_space<hbm>> -> memref<10000x128xf32, #tpu.memory_space<hbm>>
      tpu.enqueue_indirect_dma source(%dma_start3A_33 : memref<10000x128xf32, #tpu.memory_space<hbm>>) target(%arg9 : memref<128x128xf32, #tpu.memory_space<vmem>>) offsets(%arg7 : memref<128xi32, #tpu.memory_space<vmem>>) semaphore(%arg14 : memref<!tpu.dma_semaphore, #tpu.memory_space<semaphore_mem>>)
      %dma_wait3A_34 = arith.constant 0 : i32
      %dma_wait3A_35 = arith.constant 0 : i32
      %dma_wait3A_36 = tpu.memref_slice %arg2[%dma_wait3A_34, %dma_wait3A_35] : memref<10000x128xf32, #tpu.memory_space<hbm>> -> memref<10000x128xf32, #tpu.memory_space<hbm>>
      tpu.wait_indirect_dma semaphore(%arg14 : memref<!tpu.dma_semaphore, #tpu.memory_space<semaphore_mem>>) src(%dma_wait3A_36 : memref<10000x128xf32, #tpu.memory_space<hbm>>) dst(%arg9 : memref<128x128xf32, #tpu.memory_space<vmem>>)
      "tpu.region"() ({
        %run_scoped3A = tpu.sem_alloc : memref<!tpu.dma_semaphore, #tpu.memory_space<semaphore_mem>>
        %dma_start3A_37 = arith.constant 0 : i32
        %dma_start3A_38 = arith.constant 0 : i32
        %dma_start3A_39 = tpu.memref_slice %arg13[%dma_start3A_37, %dma_start3A_38] : memref<10000x128xf32, #tpu.memory_space<vmem_shared>> -> memref<10000x128xf32, #tpu.memory_space<vmem_shared>>
        tpu.enqueue_indirect_dma source(%arg9 : memref<128x128xf32, #tpu.memory_space<vmem>>) target(%dma_start3A_39 : memref<10000x128xf32, #tpu.memory_space<vmem_shared>>) offsets(%arg8 : memref<128xi32, #tpu.memory_space<vmem>>) semaphore(%run_scoped3A : memref<!tpu.dma_semaphore, #tpu.memory_space<semaphore_mem>>) {add = true}
        %dma_wait3A_40 = arith.constant 0 : i32
        %dma_wait3A_41 = arith.constant 0 : i32
        %dma_wait3A_42 = tpu.memref_slice %arg13[%dma_wait3A_40, %dma_wait3A_41] : memref<10000x128xf32, #tpu.memory_space<vmem_shared>> -> memref<10000x128xf32, #tpu.memory_space<vmem_shared>>
        tpu.wait_indirect_dma semaphore(%run_scoped3A : memref<!tpu.dma_semaphore, #tpu.memory_space<semaphore_mem>>) src(%arg9 : memref<128x128xf32, #tpu.memory_space<vmem>>) dst(%dma_wait3A_42 : memref<10000x128xf32, #tpu.memory_space<vmem_shared>>)
        tpu.yield
      }) : () -> ()
    }
    %scan3A_10 = arith.constant 78 : i32
    %add3A_11 = arith.constant 9984 : i32
    %add3A_12 = arith.addi %mul3A_6, %add3A_11 : i32
    "tpu.region"() ({
      %run_scoped3A = tpu.sem_alloc : memref<!tpu.dma_semaphore, #tpu.memory_space<semaphore_mem>>
      %dma_start3A_23 = tpu.memref_slice %arg4[%add3A_12] : memref<320000xi32, #tpu.memory_space<hbm>> -> memref<16xi32, #tpu.memory_space<hbm>>
      %dma_start3A_24 = tpu.memref_slice %arg4[%add3A_12] : memref<320000xi32, #tpu.memory_space<hbm>> -> memref<16xi32, #tpu.memory_space<hbm>>
      tpu.enqueue_dma source(%dma_start3A_24 : memref<16xi32, #tpu.memory_space<hbm>>) target(%arg10 : memref<16xi32, #tpu.memory_space<vmem>>) target_semaphore(%run_scoped3A : memref<!tpu.dma_semaphore, #tpu.memory_space<semaphore_mem>>)
      %dma_wait3A_25 = tpu.memref_slice %arg4[%add3A_12] : memref<320000xi32, #tpu.memory_space<hbm>> -> memref<16xi32, #tpu.memory_space<hbm>>
      %dma_wait3A_26 = tpu.memref_slice %arg4[%add3A_12] : memref<320000xi32, #tpu.memory_space<hbm>> -> memref<16xi32, #tpu.memory_space<hbm>>
      tpu.wait_dma2 semaphore(%run_scoped3A : memref<!tpu.dma_semaphore, #tpu.memory_space<semaphore_mem>>) src(%dma_wait3A_26 : memref<16xi32, #tpu.memory_space<hbm>>) dst(%arg10 : memref<16xi32, #tpu.memory_space<vmem>>)
      tpu.yield
    }) : () -> ()
    "tpu.region"() ({
      %run_scoped3A = tpu.sem_alloc : memref<!tpu.dma_semaphore, #tpu.memory_space<semaphore_mem>>
      %dma_start3A_23 = tpu.memref_slice %arg5[%add3A_12] : memref<320000xi32, #tpu.memory_space<hbm>> -> memref<16xi32, #tpu.memory_space<hbm>>
      %dma_start3A_24 = tpu.memref_slice %arg5[%add3A_12] : memref<320000xi32, #tpu.memory_space<hbm>> -> memref<16xi32, #tpu.memory_space<hbm>>
      tpu.enqueue_dma source(%dma_start3A_24 : memref<16xi32, #tpu.memory_space<hbm>>) target(%arg11 : memref<16xi32, #tpu.memory_space<vmem>>) target_semaphore(%run_scoped3A : memref<!tpu.dma_semaphore, #tpu.memory_space<semaphore_mem>>)
      %dma_wait3A_25 = tpu.memref_slice %arg5[%add3A_12] : memref<320000xi32, #tpu.memory_space<hbm>> -> memref<16xi32, #tpu.memory_space<hbm>>
      %dma_wait3A_26 = tpu.memref_slice %arg5[%add3A_12] : memref<320000xi32, #tpu.memory_space<hbm>> -> memref<16xi32, #tpu.memory_space<hbm>>
      tpu.wait_dma2 semaphore(%run_scoped3A : memref<!tpu.dma_semaphore, #tpu.memory_space<semaphore_mem>>) src(%dma_wait3A_26 : memref<16xi32, #tpu.memory_space<hbm>>) dst(%arg11 : memref<16xi32, #tpu.memory_space<vmem>>)
      tpu.yield
    }) : () -> ()
    %dma_start3A = arith.constant 0 : i32
    %dma_start3A_13 = arith.constant 0 : i32
    %dma_start3A_14 = tpu.memref_slice %arg2[%dma_start3A, %dma_start3A_13] : memref<10000x128xf32, #tpu.memory_space<hbm>> -> memref<10000x128xf32, #tpu.memory_space<hbm>>
    tpu.enqueue_indirect_dma source(%dma_start3A_14 : memref<10000x128xf32, #tpu.memory_space<hbm>>) target(%arg12 : memref<16x128xf32, #tpu.memory_space<vmem>>) offsets(%arg10 : memref<16xi32, #tpu.memory_space<vmem>>) semaphore(%arg14 : memref<!tpu.dma_semaphore, #tpu.memory_space<semaphore_mem>>)
    %dma_wait3A = arith.constant 0 : i32
    %dma_wait3A_15 = arith.constant 0 : i32
    %dma_wait3A_16 = tpu.memref_slice %arg2[%dma_wait3A, %dma_wait3A_15] : memref<10000x128xf32, #tpu.memory_space<hbm>> -> memref<10000x128xf32, #tpu.memory_space<hbm>>
    tpu.wait_indirect_dma semaphore(%arg14 : memref<!tpu.dma_semaphore, #tpu.memory_space<semaphore_mem>>) src(%dma_wait3A_16 : memref<10000x128xf32, #tpu.memory_space<hbm>>) dst(%arg12 : memref<16x128xf32, #tpu.memory_space<vmem>>)
    "tpu.region"() ({
      %run_scoped3A = tpu.sem_alloc : memref<!tpu.dma_semaphore, #tpu.memory_space<semaphore_mem>>
      %dma_start3A_23 = arith.constant 0 : i32
      %dma_start3A_24 = arith.constant 0 : i32
      %dma_start3A_25 = tpu.memref_slice %arg13[%dma_start3A_23, %dma_start3A_24] : memref<10000x128xf32, #tpu.memory_space<vmem_shared>> -> memref<10000x128xf32, #tpu.memory_space<vmem_shared>>
      tpu.enqueue_indirect_dma source(%arg12 : memref<16x128xf32, #tpu.memory_space<vmem>>) target(%dma_start3A_25 : memref<10000x128xf32, #tpu.memory_space<vmem_shared>>) offsets(%arg11 : memref<16xi32, #tpu.memory_space<vmem>>) semaphore(%run_scoped3A : memref<!tpu.dma_semaphore, #tpu.memory_space<semaphore_mem>>) {add = true}
      %dma_wait3A_26 = arith.constant 0 : i32
      %dma_wait3A_27 = arith.constant 0 : i32
      %dma_wait3A_28 = tpu.memref_slice %arg13[%dma_wait3A_26, %dma_wait3A_27] : memref<10000x128xf32, #tpu.memory_space<vmem_shared>> -> memref<10000x128xf32, #tpu.memory_space<vmem_shared>>
      tpu.wait_indirect_dma semaphore(%run_scoped3A : memref<!tpu.dma_semaphore, #tpu.memory_space<semaphore_mem>>) src(%arg12 : memref<16x128xf32, #tpu.memory_space<vmem>>) dst(%dma_wait3A_28 : memref<10000x128xf32, #tpu.memory_space<vmem_shared>>)
      tpu.yield
    }) : () -> ()
    %barrier3A_17 = arith.constant 0 : index
    tpu.barrier barrier_id(%barrier3A_17)
    "tpu.region"() ({
      %run_scoped3A = tpu.sem_alloc : memref<!tpu.dma_semaphore, #tpu.memory_space<semaphore_mem>>
      %dma_start3A_23 = arith.constant 0 : i32
      %dma_start3A_24 = tpu.memref_slice %arg6[%arg0, %mul3A_2, %dma_start3A_23] : memref<2x10000x128xf32, #tpu.memory_space<hbm>> -> memref<1x624x128xf32, #tpu.memory_space<hbm>>
      %dma_start3A_25 = tpu.memref_squeeze %dma_start3A_24 : memref<1x624x128xf32, #tpu.memory_space<hbm>> -> memref<624x128xf32, #tpu.memory_space<hbm>>
      %dma_start3A_26 = arith.constant 0 : i32
      %dma_start3A_27 = tpu.memref_slice %arg13[%mul3A_2, %dma_start3A_26] : memref<10000x128xf32, #tpu.memory_space<vmem_shared>> -> memref<624x128xf32, #tpu.memory_space<vmem_shared>>
      tpu.enqueue_dma source(%dma_start3A_27 : memref<624x128xf32, #tpu.memory_space<vmem_shared>>) target(%dma_start3A_25 : memref<624x128xf32, #tpu.memory_space<hbm>>) target_semaphore(%run_scoped3A : memref<!tpu.dma_semaphore, #tpu.memory_space<semaphore_mem>>)
      %dma_wait3A_28 = arith.constant 0 : i32
      %dma_wait3A_29 = tpu.memref_slice %arg6[%arg0, %mul3A_2, %dma_wait3A_28] : memref<2x10000x128xf32, #tpu.memory_space<hbm>> -> memref<1x624x128xf32, #tpu.memory_space<hbm>>
      %dma_wait3A_30 = tpu.memref_squeeze %dma_wait3A_29 : memref<1x624x128xf32, #tpu.memory_space<hbm>> -> memref<624x128xf32, #tpu.memory_space<hbm>>
      %dma_wait3A_31 = arith.constant 0 : i32
      %dma_wait3A_32 = tpu.memref_slice %arg13[%mul3A_2, %dma_wait3A_31] : memref<10000x128xf32, #tpu.memory_space<vmem_shared>> -> memref<624x128xf32, #tpu.memory_space<vmem_shared>>
      tpu.wait_dma2 semaphore(%run_scoped3A : memref<!tpu.dma_semaphore, #tpu.memory_space<semaphore_mem>>) src(%dma_wait3A_32 : memref<624x128xf32, #tpu.memory_space<vmem_shared>>) dst(%dma_wait3A_30 : memref<624x128xf32, #tpu.memory_space<hbm>>)
      tpu.yield
    }) : () -> ()
    %eq3A_18 = arith.constant 15 : i32
    %eq3A_19 = arith.cmpi eq, %arg1, %eq3A_18 : i32
    %convert_element_type3A_20 = arith.extui %eq3A_19 : i1 to i32
    %cond3A_21 = arith.constant 0 : i32
    %cond3A_22 = arith.cmpi ne, %convert_element_type3A_20, %cond3A_21 : i32
    scf.if %cond3A_22 {
      "tpu.region"() ({
        %run_scoped3A = tpu.sem_alloc : memref<!tpu.dma_semaphore, #tpu.memory_space<semaphore_mem>>
        %dma_start3A_23 = arith.constant 9984 : i32
        %dma_start3A_24 = arith.constant 0 : i32
        %dma_start3A_25 = tpu.memref_slice %arg6[%arg0, %dma_start3A_23, %dma_start3A_24] : memref<2x10000x128xf32, #tpu.memory_space<hbm>> -> memref<1x16x128xf32, #tpu.memory_space<hbm>>
        %dma_start3A_26 = tpu.memref_squeeze %dma_start3A_25 : memref<1x16x128xf32, #tpu.memory_space<hbm>> -> memref<16x128xf32, #tpu.memory_space<hbm>>
        %dma_start3A_27 = arith.constant 9984 : i32
        %dma_start3A_28 = arith.constant 0 : i32
        %dma_start3A_29 = tpu.memref_slice %arg13[%dma_start3A_27, %dma_start3A_28] : memref<10000x128xf32, #tpu.memory_space<vmem_shared>> -> memref<16x128xf32, #tpu.memory_space<vmem_shared>>
        tpu.enqueue_dma source(%dma_start3A_29 : memref<16x128xf32, #tpu.memory_space<vmem_shared>>) target(%dma_start3A_26 : memref<16x128xf32, #tpu.memory_space<hbm>>) target_semaphore(%run_scoped3A : memref<!tpu.dma_semaphore, #tpu.memory_space<semaphore_mem>>)
        %dma_wait3A_30 = arith.constant 9984 : i32
        %dma_wait3A_31 = arith.constant 0 : i32
        %dma_wait3A_32 = tpu.memref_slice %arg6[%arg0, %dma_wait3A_30, %dma_wait3A_31] : memref<2x10000x128xf32, #tpu.memory_space<hbm>> -> memref<1x16x128xf32, #tpu.memory_space<hbm>>
        %dma_wait3A_33 = tpu.memref_squeeze %dma_wait3A_32 : memref<1x16x128xf32, #tpu.memory_space<hbm>> -> memref<16x128xf32, #tpu.memory_space<hbm>>
        %dma_wait3A_34 = arith.constant 9984 : i32
        %dma_wait3A_35 = arith.constant 0 : i32
        %dma_wait3A_36 = tpu.memref_slice %arg13[%dma_wait3A_34, %dma_wait3A_35] : memref<10000x128xf32, #tpu.memory_space<vmem_shared>> -> memref<16x128xf32, #tpu.memory_space<vmem_shared>>
        tpu.wait_dma2 semaphore(%run_scoped3A : memref<!tpu.dma_semaphore, #tpu.memory_space<semaphore_mem>>) src(%dma_wait3A_36 : memref<16x128xf32, #tpu.memory_space<vmem_shared>>) dst(%dma_wait3A_33 : memref<16x128xf32, #tpu.memory_space<hbm>>)
        tpu.yield
      }) : () -> ()
    } else {
    }
    return
  }
}

#map = affine_map<(d0, d1) -> (0, 0)>
#map1 = affine_map<(d0, d1) -> (0)>
#map2 = affine_map<(d0, d1) -> (0, 0, 0)>
module attributes {stable_mosaic.version = 14 : i64} {
  func.func @_sc_agg_body(%arg0: i32, %arg1: i32, %arg2: memref<10000x32xf32, #tpu.memory_space<hbm>>, %arg3: memref<10000x32xf32, #tpu.memory_space<hbm>>, %arg4: memref<320000xi32, #tpu.memory_space<hbm>>, %arg5: memref<320000xi32, #tpu.memory_space<hbm>>, %arg6: memref<2x10000x32xf32, #tpu.memory_space<hbm>>, %arg7: memref<128xi32, #tpu.memory_space<vmem>>, %arg8: memref<128xi32, #tpu.memory_space<vmem>>, %arg9: memref<128x32xf32, #tpu.memory_space<vmem>>, %arg10: memref<16xi32, #tpu.memory_space<vmem>>, %arg11: memref<16xi32, #tpu.memory_space<vmem>>, %arg12: memref<16x32xf32, #tpu.memory_space<vmem>>, %arg13: memref<10000x32xf32, #tpu.memory_space<vmem_shared>>, %arg14: memref<!tpu.dma_semaphore, #tpu.memory_space<semaphore_mem>>) attributes {dimension_semantics = [#tpu.dimension_semantics<core_parallel>, #tpu.dimension_semantics<subcore_parallel>], iteration_bounds = array<i64: 2, 16>, scalar_prefetch = 0 : i64, scratch_operands = 8 : i64, tpu.core_type = #tpu.core_type<sc_vector_subcore>, window_params = [{transform_indices = #map}, {transform_indices = #map}, {transform_indices = #map1}, {transform_indices = #map1}, {transform_indices = #map2}]} {
    %mul3A = arith.constant 16 : i32
    %mul3A_0 = arith.muli %arg0, %mul3A : i32
    %add3A = arith.addi %mul3A_0, %arg1 : i32
    %mul3A_1 = arith.constant 624 : i32
    %mul3A_2 = arith.muli %arg1, %mul3A_1 : i32
    "tpu.region"() ({
      %run_scoped3A = tpu.sem_alloc : memref<!tpu.dma_semaphore, #tpu.memory_space<semaphore_mem>>
      %dma_start3A_23 = arith.constant 0 : i32
      %dma_start3A_24 = tpu.memref_slice %arg13[%mul3A_2, %dma_start3A_23] : memref<10000x32xf32, #tpu.memory_space<vmem_shared>> -> memref<624x32xf32, #tpu.memory_space<vmem_shared>>
      %dma_start3A_25 = arith.constant 0 : i32
      %dma_start3A_26 = tpu.memref_slice %arg3[%mul3A_2, %dma_start3A_25] : memref<10000x32xf32, #tpu.memory_space<hbm>> -> memref<624x32xf32, #tpu.memory_space<hbm>>
      tpu.enqueue_dma source(%dma_start3A_26 : memref<624x32xf32, #tpu.memory_space<hbm>>) target(%dma_start3A_24 : memref<624x32xf32, #tpu.memory_space<vmem_shared>>) target_semaphore(%run_scoped3A : memref<!tpu.dma_semaphore, #tpu.memory_space<semaphore_mem>>)
      %dma_wait3A_27 = arith.constant 0 : i32
      %dma_wait3A_28 = tpu.memref_slice %arg13[%mul3A_2, %dma_wait3A_27] : memref<10000x32xf32, #tpu.memory_space<vmem_shared>> -> memref<624x32xf32, #tpu.memory_space<vmem_shared>>
      %dma_wait3A_29 = arith.constant 0 : i32
      %dma_wait3A_30 = tpu.memref_slice %arg3[%mul3A_2, %dma_wait3A_29] : memref<10000x32xf32, #tpu.memory_space<hbm>> -> memref<624x32xf32, #tpu.memory_space<hbm>>
      tpu.wait_dma2 semaphore(%run_scoped3A : memref<!tpu.dma_semaphore, #tpu.memory_space<semaphore_mem>>) src(%dma_wait3A_30 : memref<624x32xf32, #tpu.memory_space<hbm>>) dst(%dma_wait3A_28 : memref<624x32xf32, #tpu.memory_space<vmem_shared>>)
      tpu.yield
    }) : () -> ()
    %eq3A = arith.constant 15 : i32
    %eq3A_3 = arith.cmpi eq, %arg1, %eq3A : i32
    %convert_element_type3A = arith.extui %eq3A_3 : i1 to i32
    %cond3A = arith.constant 0 : i32
    %cond3A_4 = arith.cmpi ne, %convert_element_type3A, %cond3A : i32
    scf.if %cond3A_4 {
      "tpu.region"() ({
        %run_scoped3A = tpu.sem_alloc : memref<!tpu.dma_semaphore, #tpu.memory_space<semaphore_mem>>
        %dma_start3A_23 = arith.constant 9984 : i32
        %dma_start3A_24 = arith.constant 0 : i32
        %dma_start3A_25 = tpu.memref_slice %arg13[%dma_start3A_23, %dma_start3A_24] : memref<10000x32xf32, #tpu.memory_space<vmem_shared>> -> memref<16x32xf32, #tpu.memory_space<vmem_shared>>
        %dma_start3A_26 = arith.constant 9984 : i32
        %dma_start3A_27 = arith.constant 0 : i32
        %dma_start3A_28 = tpu.memref_slice %arg3[%dma_start3A_26, %dma_start3A_27] : memref<10000x32xf32, #tpu.memory_space<hbm>> -> memref<16x32xf32, #tpu.memory_space<hbm>>
        tpu.enqueue_dma source(%dma_start3A_28 : memref<16x32xf32, #tpu.memory_space<hbm>>) target(%dma_start3A_25 : memref<16x32xf32, #tpu.memory_space<vmem_shared>>) target_semaphore(%run_scoped3A : memref<!tpu.dma_semaphore, #tpu.memory_space<semaphore_mem>>)
        %dma_wait3A_29 = arith.constant 9984 : i32
        %dma_wait3A_30 = arith.constant 0 : i32
        %dma_wait3A_31 = tpu.memref_slice %arg13[%dma_wait3A_29, %dma_wait3A_30] : memref<10000x32xf32, #tpu.memory_space<vmem_shared>> -> memref<16x32xf32, #tpu.memory_space<vmem_shared>>
        %dma_wait3A_32 = arith.constant 9984 : i32
        %dma_wait3A_33 = arith.constant 0 : i32
        %dma_wait3A_34 = tpu.memref_slice %arg3[%dma_wait3A_32, %dma_wait3A_33] : memref<10000x32xf32, #tpu.memory_space<hbm>> -> memref<16x32xf32, #tpu.memory_space<hbm>>
        tpu.wait_dma2 semaphore(%run_scoped3A : memref<!tpu.dma_semaphore, #tpu.memory_space<semaphore_mem>>) src(%dma_wait3A_34 : memref<16x32xf32, #tpu.memory_space<hbm>>) dst(%dma_wait3A_31 : memref<16x32xf32, #tpu.memory_space<vmem_shared>>)
        tpu.yield
      }) : () -> ()
    } else {
    }
    %barrier3A = arith.constant 0 : index
    tpu.barrier barrier_id(%barrier3A)
    %mul3A_5 = arith.constant 10000 : i32
    %mul3A_6 = arith.muli %add3A, %mul3A_5 : i32
    %scan3A = arith.constant 0 : i32
    %scan3A_7 = arith.constant 78 : i32
    %scan3A_8 = arith.addi %scan3A, %scan3A_7 : i32
    %scan3A_9 = arith.constant 1 : i32
    scf.for %scan3A_23 = %scan3A to %scan3A_8 step %scan3A_9  : i32 {
      %mul3A_24 = arith.constant 1 : i32
      %mul3A_25 = arith.muli %scan3A_23, %mul3A_24 : i32
      %add3A_26 = arith.constant 0 : i32
      %add3A_27 = arith.addi %add3A_26, %mul3A_25 : i32
      %mul3A_28 = arith.constant 128 : i32
      %mul3A_29 = arith.muli %add3A_27, %mul3A_28 : i32
      %add3A_30 = arith.addi %mul3A_6, %mul3A_29 : i32
      "tpu.region"() ({
        %run_scoped3A = tpu.sem_alloc : memref<!tpu.dma_semaphore, #tpu.memory_space<semaphore_mem>>
        %dma_start3A_37 = tpu.memref_slice %arg4[%add3A_30] : memref<320000xi32, #tpu.memory_space<hbm>> -> memref<128xi32, #tpu.memory_space<hbm>>
        %dma_start3A_38 = tpu.memref_slice %arg4[%add3A_30] : memref<320000xi32, #tpu.memory_space<hbm>> -> memref<128xi32, #tpu.memory_space<hbm>>
        tpu.enqueue_dma source(%dma_start3A_38 : memref<128xi32, #tpu.memory_space<hbm>>) target(%arg7 : memref<128xi32, #tpu.memory_space<vmem>>) target_semaphore(%run_scoped3A : memref<!tpu.dma_semaphore, #tpu.memory_space<semaphore_mem>>)
        %dma_wait3A_39 = tpu.memref_slice %arg4[%add3A_30] : memref<320000xi32, #tpu.memory_space<hbm>> -> memref<128xi32, #tpu.memory_space<hbm>>
        %dma_wait3A_40 = tpu.memref_slice %arg4[%add3A_30] : memref<320000xi32, #tpu.memory_space<hbm>> -> memref<128xi32, #tpu.memory_space<hbm>>
        tpu.wait_dma2 semaphore(%run_scoped3A : memref<!tpu.dma_semaphore, #tpu.memory_space<semaphore_mem>>) src(%dma_wait3A_40 : memref<128xi32, #tpu.memory_space<hbm>>) dst(%arg7 : memref<128xi32, #tpu.memory_space<vmem>>)
        tpu.yield
      }) : () -> ()
      "tpu.region"() ({
        %run_scoped3A = tpu.sem_alloc : memref<!tpu.dma_semaphore, #tpu.memory_space<semaphore_mem>>
        %dma_start3A_37 = tpu.memref_slice %arg5[%add3A_30] : memref<320000xi32, #tpu.memory_space<hbm>> -> memref<128xi32, #tpu.memory_space<hbm>>
        %dma_start3A_38 = tpu.memref_slice %arg5[%add3A_30] : memref<320000xi32, #tpu.memory_space<hbm>> -> memref<128xi32, #tpu.memory_space<hbm>>
        tpu.enqueue_dma source(%dma_start3A_38 : memref<128xi32, #tpu.memory_space<hbm>>) target(%arg8 : memref<128xi32, #tpu.memory_space<vmem>>) target_semaphore(%run_scoped3A : memref<!tpu.dma_semaphore, #tpu.memory_space<semaphore_mem>>)
        %dma_wait3A_39 = tpu.memref_slice %arg5[%add3A_30] : memref<320000xi32, #tpu.memory_space<hbm>> -> memref<128xi32, #tpu.memory_space<hbm>>
        %dma_wait3A_40 = tpu.memref_slice %arg5[%add3A_30] : memref<320000xi32, #tpu.memory_space<hbm>> -> memref<128xi32, #tpu.memory_space<hbm>>
        tpu.wait_dma2 semaphore(%run_scoped3A : memref<!tpu.dma_semaphore, #tpu.memory_space<semaphore_mem>>) src(%dma_wait3A_40 : memref<128xi32, #tpu.memory_space<hbm>>) dst(%arg8 : memref<128xi32, #tpu.memory_space<vmem>>)
        tpu.yield
      }) : () -> ()
      %dma_start3A_31 = arith.constant 0 : i32
      %dma_start3A_32 = arith.constant 0 : i32
      %dma_start3A_33 = tpu.memref_slice %arg2[%dma_start3A_31, %dma_start3A_32] : memref<10000x32xf32, #tpu.memory_space<hbm>> -> memref<10000x32xf32, #tpu.memory_space<hbm>>
      tpu.enqueue_indirect_dma source(%dma_start3A_33 : memref<10000x32xf32, #tpu.memory_space<hbm>>) target(%arg9 : memref<128x32xf32, #tpu.memory_space<vmem>>) offsets(%arg7 : memref<128xi32, #tpu.memory_space<vmem>>) semaphore(%arg14 : memref<!tpu.dma_semaphore, #tpu.memory_space<semaphore_mem>>)
      %dma_wait3A_34 = arith.constant 0 : i32
      %dma_wait3A_35 = arith.constant 0 : i32
      %dma_wait3A_36 = tpu.memref_slice %arg2[%dma_wait3A_34, %dma_wait3A_35] : memref<10000x32xf32, #tpu.memory_space<hbm>> -> memref<10000x32xf32, #tpu.memory_space<hbm>>
      tpu.wait_indirect_dma semaphore(%arg14 : memref<!tpu.dma_semaphore, #tpu.memory_space<semaphore_mem>>) src(%dma_wait3A_36 : memref<10000x32xf32, #tpu.memory_space<hbm>>) dst(%arg9 : memref<128x32xf32, #tpu.memory_space<vmem>>)
      "tpu.region"() ({
        %run_scoped3A = tpu.sem_alloc : memref<!tpu.dma_semaphore, #tpu.memory_space<semaphore_mem>>
        %dma_start3A_37 = arith.constant 0 : i32
        %dma_start3A_38 = arith.constant 0 : i32
        %dma_start3A_39 = tpu.memref_slice %arg13[%dma_start3A_37, %dma_start3A_38] : memref<10000x32xf32, #tpu.memory_space<vmem_shared>> -> memref<10000x32xf32, #tpu.memory_space<vmem_shared>>
        tpu.enqueue_indirect_dma source(%arg9 : memref<128x32xf32, #tpu.memory_space<vmem>>) target(%dma_start3A_39 : memref<10000x32xf32, #tpu.memory_space<vmem_shared>>) offsets(%arg8 : memref<128xi32, #tpu.memory_space<vmem>>) semaphore(%run_scoped3A : memref<!tpu.dma_semaphore, #tpu.memory_space<semaphore_mem>>) {add = true}
        %dma_wait3A_40 = arith.constant 0 : i32
        %dma_wait3A_41 = arith.constant 0 : i32
        %dma_wait3A_42 = tpu.memref_slice %arg13[%dma_wait3A_40, %dma_wait3A_41] : memref<10000x32xf32, #tpu.memory_space<vmem_shared>> -> memref<10000x32xf32, #tpu.memory_space<vmem_shared>>
        tpu.wait_indirect_dma semaphore(%run_scoped3A : memref<!tpu.dma_semaphore, #tpu.memory_space<semaphore_mem>>) src(%arg9 : memref<128x32xf32, #tpu.memory_space<vmem>>) dst(%dma_wait3A_42 : memref<10000x32xf32, #tpu.memory_space<vmem_shared>>)
        tpu.yield
      }) : () -> ()
    }
    %scan3A_10 = arith.constant 78 : i32
    %add3A_11 = arith.constant 9984 : i32
    %add3A_12 = arith.addi %mul3A_6, %add3A_11 : i32
    "tpu.region"() ({
      %run_scoped3A = tpu.sem_alloc : memref<!tpu.dma_semaphore, #tpu.memory_space<semaphore_mem>>
      %dma_start3A_23 = tpu.memref_slice %arg4[%add3A_12] : memref<320000xi32, #tpu.memory_space<hbm>> -> memref<16xi32, #tpu.memory_space<hbm>>
      %dma_start3A_24 = tpu.memref_slice %arg4[%add3A_12] : memref<320000xi32, #tpu.memory_space<hbm>> -> memref<16xi32, #tpu.memory_space<hbm>>
      tpu.enqueue_dma source(%dma_start3A_24 : memref<16xi32, #tpu.memory_space<hbm>>) target(%arg10 : memref<16xi32, #tpu.memory_space<vmem>>) target_semaphore(%run_scoped3A : memref<!tpu.dma_semaphore, #tpu.memory_space<semaphore_mem>>)
      %dma_wait3A_25 = tpu.memref_slice %arg4[%add3A_12] : memref<320000xi32, #tpu.memory_space<hbm>> -> memref<16xi32, #tpu.memory_space<hbm>>
      %dma_wait3A_26 = tpu.memref_slice %arg4[%add3A_12] : memref<320000xi32, #tpu.memory_space<hbm>> -> memref<16xi32, #tpu.memory_space<hbm>>
      tpu.wait_dma2 semaphore(%run_scoped3A : memref<!tpu.dma_semaphore, #tpu.memory_space<semaphore_mem>>) src(%dma_wait3A_26 : memref<16xi32, #tpu.memory_space<hbm>>) dst(%arg10 : memref<16xi32, #tpu.memory_space<vmem>>)
      tpu.yield
    }) : () -> ()
    "tpu.region"() ({
      %run_scoped3A = tpu.sem_alloc : memref<!tpu.dma_semaphore, #tpu.memory_space<semaphore_mem>>
      %dma_start3A_23 = tpu.memref_slice %arg5[%add3A_12] : memref<320000xi32, #tpu.memory_space<hbm>> -> memref<16xi32, #tpu.memory_space<hbm>>
      %dma_start3A_24 = tpu.memref_slice %arg5[%add3A_12] : memref<320000xi32, #tpu.memory_space<hbm>> -> memref<16xi32, #tpu.memory_space<hbm>>
      tpu.enqueue_dma source(%dma_start3A_24 : memref<16xi32, #tpu.memory_space<hbm>>) target(%arg11 : memref<16xi32, #tpu.memory_space<vmem>>) target_semaphore(%run_scoped3A : memref<!tpu.dma_semaphore, #tpu.memory_space<semaphore_mem>>)
      %dma_wait3A_25 = tpu.memref_slice %arg5[%add3A_12] : memref<320000xi32, #tpu.memory_space<hbm>> -> memref<16xi32, #tpu.memory_space<hbm>>
      %dma_wait3A_26 = tpu.memref_slice %arg5[%add3A_12] : memref<320000xi32, #tpu.memory_space<hbm>> -> memref<16xi32, #tpu.memory_space<hbm>>
      tpu.wait_dma2 semaphore(%run_scoped3A : memref<!tpu.dma_semaphore, #tpu.memory_space<semaphore_mem>>) src(%dma_wait3A_26 : memref<16xi32, #tpu.memory_space<hbm>>) dst(%arg11 : memref<16xi32, #tpu.memory_space<vmem>>)
      tpu.yield
    }) : () -> ()
    %dma_start3A = arith.constant 0 : i32
    %dma_start3A_13 = arith.constant 0 : i32
    %dma_start3A_14 = tpu.memref_slice %arg2[%dma_start3A, %dma_start3A_13] : memref<10000x32xf32, #tpu.memory_space<hbm>> -> memref<10000x32xf32, #tpu.memory_space<hbm>>
    tpu.enqueue_indirect_dma source(%dma_start3A_14 : memref<10000x32xf32, #tpu.memory_space<hbm>>) target(%arg12 : memref<16x32xf32, #tpu.memory_space<vmem>>) offsets(%arg10 : memref<16xi32, #tpu.memory_space<vmem>>) semaphore(%arg14 : memref<!tpu.dma_semaphore, #tpu.memory_space<semaphore_mem>>)
    %dma_wait3A = arith.constant 0 : i32
    %dma_wait3A_15 = arith.constant 0 : i32
    %dma_wait3A_16 = tpu.memref_slice %arg2[%dma_wait3A, %dma_wait3A_15] : memref<10000x32xf32, #tpu.memory_space<hbm>> -> memref<10000x32xf32, #tpu.memory_space<hbm>>
    tpu.wait_indirect_dma semaphore(%arg14 : memref<!tpu.dma_semaphore, #tpu.memory_space<semaphore_mem>>) src(%dma_wait3A_16 : memref<10000x32xf32, #tpu.memory_space<hbm>>) dst(%arg12 : memref<16x32xf32, #tpu.memory_space<vmem>>)
    "tpu.region"() ({
      %run_scoped3A = tpu.sem_alloc : memref<!tpu.dma_semaphore, #tpu.memory_space<semaphore_mem>>
      %dma_start3A_23 = arith.constant 0 : i32
      %dma_start3A_24 = arith.constant 0 : i32
      %dma_start3A_25 = tpu.memref_slice %arg13[%dma_start3A_23, %dma_start3A_24] : memref<10000x32xf32, #tpu.memory_space<vmem_shared>> -> memref<10000x32xf32, #tpu.memory_space<vmem_shared>>
      tpu.enqueue_indirect_dma source(%arg12 : memref<16x32xf32, #tpu.memory_space<vmem>>) target(%dma_start3A_25 : memref<10000x32xf32, #tpu.memory_space<vmem_shared>>) offsets(%arg11 : memref<16xi32, #tpu.memory_space<vmem>>) semaphore(%run_scoped3A : memref<!tpu.dma_semaphore, #tpu.memory_space<semaphore_mem>>) {add = true}
      %dma_wait3A_26 = arith.constant 0 : i32
      %dma_wait3A_27 = arith.constant 0 : i32
      %dma_wait3A_28 = tpu.memref_slice %arg13[%dma_wait3A_26, %dma_wait3A_27] : memref<10000x32xf32, #tpu.memory_space<vmem_shared>> -> memref<10000x32xf32, #tpu.memory_space<vmem_shared>>
      tpu.wait_indirect_dma semaphore(%run_scoped3A : memref<!tpu.dma_semaphore, #tpu.memory_space<semaphore_mem>>) src(%arg12 : memref<16x32xf32, #tpu.memory_space<vmem>>) dst(%dma_wait3A_28 : memref<10000x32xf32, #tpu.memory_space<vmem_shared>>)
      tpu.yield
    }) : () -> ()
    %barrier3A_17 = arith.constant 0 : index
    tpu.barrier barrier_id(%barrier3A_17)
    "tpu.region"() ({
      %run_scoped3A = tpu.sem_alloc : memref<!tpu.dma_semaphore, #tpu.memory_space<semaphore_mem>>
      %dma_start3A_23 = arith.constant 0 : i32
      %dma_start3A_24 = tpu.memref_slice %arg6[%arg0, %mul3A_2, %dma_start3A_23] : memref<2x10000x32xf32, #tpu.memory_space<hbm>> -> memref<1x624x32xf32, #tpu.memory_space<hbm>>
      %dma_start3A_25 = tpu.memref_squeeze %dma_start3A_24 : memref<1x624x32xf32, #tpu.memory_space<hbm>> -> memref<624x32xf32, #tpu.memory_space<hbm>>
      %dma_start3A_26 = arith.constant 0 : i32
      %dma_start3A_27 = tpu.memref_slice %arg13[%mul3A_2, %dma_start3A_26] : memref<10000x32xf32, #tpu.memory_space<vmem_shared>> -> memref<624x32xf32, #tpu.memory_space<vmem_shared>>
      tpu.enqueue_dma source(%dma_start3A_27 : memref<624x32xf32, #tpu.memory_space<vmem_shared>>) target(%dma_start3A_25 : memref<624x32xf32, #tpu.memory_space<hbm>>) target_semaphore(%run_scoped3A : memref<!tpu.dma_semaphore, #tpu.memory_space<semaphore_mem>>)
      %dma_wait3A_28 = arith.constant 0 : i32
      %dma_wait3A_29 = tpu.memref_slice %arg6[%arg0, %mul3A_2, %dma_wait3A_28] : memref<2x10000x32xf32, #tpu.memory_space<hbm>> -> memref<1x624x32xf32, #tpu.memory_space<hbm>>
      %dma_wait3A_30 = tpu.memref_squeeze %dma_wait3A_29 : memref<1x624x32xf32, #tpu.memory_space<hbm>> -> memref<624x32xf32, #tpu.memory_space<hbm>>
      %dma_wait3A_31 = arith.constant 0 : i32
      %dma_wait3A_32 = tpu.memref_slice %arg13[%mul3A_2, %dma_wait3A_31] : memref<10000x32xf32, #tpu.memory_space<vmem_shared>> -> memref<624x32xf32, #tpu.memory_space<vmem_shared>>
      tpu.wait_dma2 semaphore(%run_scoped3A : memref<!tpu.dma_semaphore, #tpu.memory_space<semaphore_mem>>) src(%dma_wait3A_32 : memref<624x32xf32, #tpu.memory_space<vmem_shared>>) dst(%dma_wait3A_30 : memref<624x32xf32, #tpu.memory_space<hbm>>)
      tpu.yield
    }) : () -> ()
    %eq3A_18 = arith.constant 15 : i32
    %eq3A_19 = arith.cmpi eq, %arg1, %eq3A_18 : i32
    %convert_element_type3A_20 = arith.extui %eq3A_19 : i1 to i32
    %cond3A_21 = arith.constant 0 : i32
    %cond3A_22 = arith.cmpi ne, %convert_element_type3A_20, %cond3A_21 : i32
    scf.if %cond3A_22 {
      "tpu.region"() ({
        %run_scoped3A = tpu.sem_alloc : memref<!tpu.dma_semaphore, #tpu.memory_space<semaphore_mem>>
        %dma_start3A_23 = arith.constant 9984 : i32
        %dma_start3A_24 = arith.constant 0 : i32
        %dma_start3A_25 = tpu.memref_slice %arg6[%arg0, %dma_start3A_23, %dma_start3A_24] : memref<2x10000x32xf32, #tpu.memory_space<hbm>> -> memref<1x16x32xf32, #tpu.memory_space<hbm>>
        %dma_start3A_26 = tpu.memref_squeeze %dma_start3A_25 : memref<1x16x32xf32, #tpu.memory_space<hbm>> -> memref<16x32xf32, #tpu.memory_space<hbm>>
        %dma_start3A_27 = arith.constant 9984 : i32
        %dma_start3A_28 = arith.constant 0 : i32
        %dma_start3A_29 = tpu.memref_slice %arg13[%dma_start3A_27, %dma_start3A_28] : memref<10000x32xf32, #tpu.memory_space<vmem_shared>> -> memref<16x32xf32, #tpu.memory_space<vmem_shared>>
        tpu.enqueue_dma source(%dma_start3A_29 : memref<16x32xf32, #tpu.memory_space<vmem_shared>>) target(%dma_start3A_26 : memref<16x32xf32, #tpu.memory_space<hbm>>) target_semaphore(%run_scoped3A : memref<!tpu.dma_semaphore, #tpu.memory_space<semaphore_mem>>)
        %dma_wait3A_30 = arith.constant 9984 : i32
        %dma_wait3A_31 = arith.constant 0 : i32
        %dma_wait3A_32 = tpu.memref_slice %arg6[%arg0, %dma_wait3A_30, %dma_wait3A_31] : memref<2x10000x32xf32, #tpu.memory_space<hbm>> -> memref<1x16x32xf32, #tpu.memory_space<hbm>>
        %dma_wait3A_33 = tpu.memref_squeeze %dma_wait3A_32 : memref<1x16x32xf32, #tpu.memory_space<hbm>> -> memref<16x32xf32, #tpu.memory_space<hbm>>
        %dma_wait3A_34 = arith.constant 9984 : i32
        %dma_wait3A_35 = arith.constant 0 : i32
        %dma_wait3A_36 = tpu.memref_slice %arg13[%dma_wait3A_34, %dma_wait3A_35] : memref<10000x32xf32, #tpu.memory_space<vmem_shared>> -> memref<16x32xf32, #tpu.memory_space<vmem_shared>>
        tpu.wait_dma2 semaphore(%run_scoped3A : memref<!tpu.dma_semaphore, #tpu.memory_space<semaphore_mem>>) src(%dma_wait3A_36 : memref<16x32xf32, #tpu.memory_space<vmem_shared>>) dst(%dma_wait3A_33 : memref<16x32xf32, #tpu.memory_space<hbm>>)
        tpu.yield
      }) : () -> ()
    } else {
    }
    return
  }
}

module attributes {stable_mosaic.version = 14 : i64} {
  func.func @_layer_body(%arg0: memref<10000x128xf32, #tpu.memory_space<vmem>>, %arg1: memref<2x10000x128xf32, #tpu.memory_space<vmem>>, %arg2: memref<128x32xf32, #tpu.memory_space<vmem>>, %arg3: memref<1x32xf32, #tpu.memory_space<vmem>>, %arg4: memref<32x32xf32, #tpu.memory_space<vmem>>, %arg5: memref<1x32xf32, #tpu.memory_space<vmem>>, %arg6: memref<1x32xf32, #tpu.memory_space<vmem>>, %arg7: memref<1x32xf32, #tpu.memory_space<vmem>>, %arg8: memref<10000x32xf32, #tpu.memory_space<vmem>>) attributes {dimension_semantics = [], scalar_prefetch = 0 : i64, scratch_operands = 0 : i64, tpu.core_type = #tpu.core_type<tc>} {
    %get3A = arith.constant 0 : index
    %get3A_0 = arith.constant 0 : index
    %get3A_1 = vector.load %arg0[%get3A, %get3A_0] : memref<10000x128xf32, #tpu.memory_space<vmem>>, vector<10000x128xf32>
    %get3A_2 = arith.constant 0 : index
    %get3A_3 = arith.constant 0 : index
    %get3A_4 = arith.constant 0 : index
    %get3A_5 = vector.load %arg1[%get3A_2, %get3A_3, %get3A_4] : memref<2x10000x128xf32, #tpu.memory_space<vmem>>, vector<1x10000x128xf32>
    %get3A_6 = vector.shape_cast %get3A_5 : vector<1x10000x128xf32> to vector<10000x128xf32>
    %get3A_7 = arith.constant 1 : index
    %get3A_8 = arith.constant 0 : index
    %get3A_9 = arith.constant 0 : index
    %get3A_10 = vector.load %arg1[%get3A_7, %get3A_8, %get3A_9] : memref<2x10000x128xf32, #tpu.memory_space<vmem>>, vector<1x10000x128xf32>
    %get3A_11 = vector.shape_cast %get3A_10 : vector<1x10000x128xf32> to vector<10000x128xf32>
    %get3A_12 = arith.constant 0 : index
    %get3A_13 = arith.constant 0 : index
    %get3A_14 = vector.load %arg2[%get3A_12, %get3A_13] : memref<128x32xf32, #tpu.memory_space<vmem>>, vector<128x32xf32>
    %get3A_15 = arith.constant 0 : index
    %get3A_16 = arith.constant 0 : index
    %get3A_17 = vector.load %arg3[%get3A_15, %get3A_16] : memref<1x32xf32, #tpu.memory_space<vmem>>, vector<1x32xf32>
    %get3A_18 = arith.constant 0 : index
    %get3A_19 = arith.constant 0 : index
    %get3A_20 = vector.load %arg4[%get3A_18, %get3A_19] : memref<32x32xf32, #tpu.memory_space<vmem>>, vector<32x32xf32>
    %get3A_21 = arith.constant 0 : index
    %get3A_22 = arith.constant 0 : index
    %get3A_23 = vector.load %arg5[%get3A_21, %get3A_22] : memref<1x32xf32, #tpu.memory_space<vmem>>, vector<1x32xf32>
    %get3A_24 = arith.constant 0 : index
    %get3A_25 = arith.constant 0 : index
    %get3A_26 = vector.load %arg6[%get3A_24, %get3A_25] : memref<1x32xf32, #tpu.memory_space<vmem>>, vector<1x32xf32>
    %get3A_27 = arith.constant 0 : index
    %get3A_28 = arith.constant 0 : index
    %get3A_29 = vector.load %arg7[%get3A_27, %get3A_28] : memref<1x32xf32, #tpu.memory_space<vmem>>, vector<1x32xf32>
    %add3A = arith.addf %get3A_6, %get3A_11 : vector<10000x128xf32>
    %add3A_30 = arith.addf %get3A_1, %add3A : vector<10000x128xf32>
    %dot_general3A = arith.constant dense<0.000000e+00> : vector<10000x32xf32>
    %dot_general3A_31 = tpu.matmul %add3A_30, %get3A_14, %dot_general3A {dimension_numbers = #tpu.dot_dimension_numbers<[1], [0], [0], [1], [0, 0, 1, 1], [], []>, transpose_lhs_hint = false} : vector<10000x128xf32>, vector<128x32xf32>, vector<10000x32xf32> -> vector<10000x32xf32>
    %add3A_32 = vector.broadcast %get3A_17 : vector<1x32xf32> to vector<10000x32xf32>
    %add3A_33 = arith.addf %dot_general3A_31, %add3A_32 : vector<10000x32xf32>
    %max3A = arith.constant 0.000000e+00 : f32
    %max3A_34 = vector.broadcast %max3A : f32 to vector<10000x32xf32>
    %max3A_35 = arith.maximumf %add3A_33, %max3A_34 : vector<10000x32xf32>
    %dot_general3A_36 = arith.constant dense<0.000000e+00> : vector<10000x32xf32>
    %dot_general3A_37 = tpu.matmul %max3A_35, %get3A_20, %dot_general3A_36 {dimension_numbers = #tpu.dot_dimension_numbers<[1], [0], [0], [1], [0, 0, 1, 1], [], []>, transpose_lhs_hint = false} : vector<10000x32xf32>, vector<32x32xf32>, vector<10000x32xf32> -> vector<10000x32xf32>
    %add3A_38 = vector.broadcast %get3A_23 : vector<1x32xf32> to vector<10000x32xf32>
    %add3A_39 = arith.addf %dot_general3A_37, %add3A_38 : vector<10000x32xf32>
    %max3A_40 = arith.constant 0.000000e+00 : f32
    %max3A_41 = vector.broadcast %max3A_40 : f32 to vector<10000x32xf32>
    %max3A_42 = arith.maximumf %add3A_39, %max3A_41 : vector<10000x32xf32>
    %reduce_sum3A = arith.constant dense<0.000000e+00> : vector<32xf32>
    %reduce_sum3A_43 = vector.multi_reduction <add>, %max3A_42, %reduce_sum3A [0] : vector<10000x32xf32> to vector<32xf32>
    %broadcast_in_dim3A = vector.shape_cast %reduce_sum3A_43 : vector<32xf32> to vector<1x32xf32>
    %div3A = arith.constant 1.000000e+04 : f32
    %div3A_44 = vector.broadcast %div3A : f32 to vector<1x32xf32>
    %div3A_45 = arith.divf %broadcast_in_dim3A, %div3A_44 : vector<1x32xf32>
    %sub3A = vector.broadcast %div3A_45 : vector<1x32xf32> to vector<10000x32xf32>
    %sub3A_46 = arith.subf %max3A_42, %sub3A : vector<10000x32xf32>
    %sub3A_47 = vector.broadcast %div3A_45 : vector<1x32xf32> to vector<10000x32xf32>
    %sub3A_48 = arith.subf %max3A_42, %sub3A_47 : vector<10000x32xf32>
    %mul3A = arith.mulf %sub3A_46, %sub3A_48 : vector<10000x32xf32>
    %reduce_sum3A_49 = arith.constant dense<0.000000e+00> : vector<32xf32>
    %reduce_sum3A_50 = vector.multi_reduction <add>, %mul3A, %reduce_sum3A_49 [0] : vector<10000x32xf32> to vector<32xf32>
    %broadcast_in_dim3A_51 = vector.shape_cast %reduce_sum3A_50 : vector<32xf32> to vector<1x32xf32>
    %div3A_52 = arith.constant 1.000000e+04 : f32
    %div3A_53 = vector.broadcast %div3A_52 : f32 to vector<1x32xf32>
    %div3A_54 = arith.divf %broadcast_in_dim3A_51, %div3A_53 : vector<1x32xf32>
    %sub3A_55 = vector.broadcast %div3A_45 : vector<1x32xf32> to vector<10000x32xf32>
    %sub3A_56 = arith.subf %max3A_42, %sub3A_55 : vector<10000x32xf32>
    %mul3A_57 = vector.broadcast %get3A_26 : vector<1x32xf32> to vector<10000x32xf32>
    %mul3A_58 = arith.mulf %mul3A_57, %sub3A_56 : vector<10000x32xf32>
    %add3A_59 = arith.constant 9.99999974E-6 : f32
    %add3A_60 = vector.broadcast %add3A_59 : f32 to vector<1x32xf32>
    %add3A_61 = arith.addf %div3A_54, %add3A_60 : vector<1x32xf32>
    %sqrt3A = math.sqrt %add3A_61 : vector<1x32xf32>
    %div3A_62 = vector.broadcast %sqrt3A : vector<1x32xf32> to vector<10000x32xf32>
    %div3A_63 = arith.divf %mul3A_58, %div3A_62 : vector<10000x32xf32>
    %add3A_64 = vector.broadcast %get3A_29 : vector<1x32xf32> to vector<10000x32xf32>
    %add3A_65 = arith.addf %div3A_63, %add3A_64 : vector<10000x32xf32>
    %swap3A = arith.constant 0 : index
    %swap3A_66 = arith.constant 0 : index
    %swap3A_67 = vector.load %arg8[%swap3A, %swap3A_66] : memref<10000x32xf32, #tpu.memory_space<vmem>>, vector<10000x32xf32>
    tpu.vector_store %arg8[%swap3A, %swap3A_66], %add3A_65 {strides = array<i32>} : memref<10000x32xf32, #tpu.memory_space<vmem>>, vector<10000x32xf32>,
    return
  }
}

module attributes {stable_mosaic.version = 14 : i64} {
  func.func @_layer_body(%arg0: memref<10000x32xf32, #tpu.memory_space<vmem>>, %arg1: memref<2x10000x32xf32, #tpu.memory_space<vmem>>, %arg2: memref<32x32xf32, #tpu.memory_space<vmem>>, %arg3: memref<1x32xf32, #tpu.memory_space<vmem>>, %arg4: memref<32x32xf32, #tpu.memory_space<vmem>>, %arg5: memref<1x32xf32, #tpu.memory_space<vmem>>, %arg6: memref<1x32xf32, #tpu.memory_space<vmem>>, %arg7: memref<1x32xf32, #tpu.memory_space<vmem>>, %arg8: memref<10000x32xf32, #tpu.memory_space<vmem>>) attributes {dimension_semantics = [], scalar_prefetch = 0 : i64, scratch_operands = 0 : i64, tpu.core_type = #tpu.core_type<tc>} {
    %get3A = arith.constant 0 : index
    %get3A_0 = arith.constant 0 : index
    %get3A_1 = vector.load %arg0[%get3A, %get3A_0] : memref<10000x32xf32, #tpu.memory_space<vmem>>, vector<10000x32xf32>
    %get3A_2 = arith.constant 0 : index
    %get3A_3 = arith.constant 0 : index
    %get3A_4 = arith.constant 0 : index
    %get3A_5 = vector.load %arg1[%get3A_2, %get3A_3, %get3A_4] : memref<2x10000x32xf32, #tpu.memory_space<vmem>>, vector<1x10000x32xf32>
    %get3A_6 = vector.shape_cast %get3A_5 : vector<1x10000x32xf32> to vector<10000x32xf32>
    %get3A_7 = arith.constant 1 : index
    %get3A_8 = arith.constant 0 : index
    %get3A_9 = arith.constant 0 : index
    %get3A_10 = vector.load %arg1[%get3A_7, %get3A_8, %get3A_9] : memref<2x10000x32xf32, #tpu.memory_space<vmem>>, vector<1x10000x32xf32>
    %get3A_11 = vector.shape_cast %get3A_10 : vector<1x10000x32xf32> to vector<10000x32xf32>
    %get3A_12 = arith.constant 0 : index
    %get3A_13 = arith.constant 0 : index
    %get3A_14 = vector.load %arg2[%get3A_12, %get3A_13] : memref<32x32xf32, #tpu.memory_space<vmem>>, vector<32x32xf32>
    %get3A_15 = arith.constant 0 : index
    %get3A_16 = arith.constant 0 : index
    %get3A_17 = vector.load %arg3[%get3A_15, %get3A_16] : memref<1x32xf32, #tpu.memory_space<vmem>>, vector<1x32xf32>
    %get3A_18 = arith.constant 0 : index
    %get3A_19 = arith.constant 0 : index
    %get3A_20 = vector.load %arg4[%get3A_18, %get3A_19] : memref<32x32xf32, #tpu.memory_space<vmem>>, vector<32x32xf32>
    %get3A_21 = arith.constant 0 : index
    %get3A_22 = arith.constant 0 : index
    %get3A_23 = vector.load %arg5[%get3A_21, %get3A_22] : memref<1x32xf32, #tpu.memory_space<vmem>>, vector<1x32xf32>
    %get3A_24 = arith.constant 0 : index
    %get3A_25 = arith.constant 0 : index
    %get3A_26 = vector.load %arg6[%get3A_24, %get3A_25] : memref<1x32xf32, #tpu.memory_space<vmem>>, vector<1x32xf32>
    %get3A_27 = arith.constant 0 : index
    %get3A_28 = arith.constant 0 : index
    %get3A_29 = vector.load %arg7[%get3A_27, %get3A_28] : memref<1x32xf32, #tpu.memory_space<vmem>>, vector<1x32xf32>
    %add3A = arith.addf %get3A_6, %get3A_11 : vector<10000x32xf32>
    %add3A_30 = arith.addf %get3A_1, %add3A : vector<10000x32xf32>
    %dot_general3A = arith.constant dense<0.000000e+00> : vector<10000x32xf32>
    %dot_general3A_31 = tpu.matmul %add3A_30, %get3A_14, %dot_general3A {dimension_numbers = #tpu.dot_dimension_numbers<[1], [0], [0], [1], [0, 0, 1, 1], [], []>, transpose_lhs_hint = false} : vector<10000x32xf32>, vector<32x32xf32>, vector<10000x32xf32> -> vector<10000x32xf32>
    %add3A_32 = vector.broadcast %get3A_17 : vector<1x32xf32> to vector<10000x32xf32>
    %add3A_33 = arith.addf %dot_general3A_31, %add3A_32 : vector<10000x32xf32>
    %max3A = arith.constant 0.000000e+00 : f32
    %max3A_34 = vector.broadcast %max3A : f32 to vector<10000x32xf32>
    %max3A_35 = arith.maximumf %add3A_33, %max3A_34 : vector<10000x32xf32>
    %dot_general3A_36 = arith.constant dense<0.000000e+00> : vector<10000x32xf32>
    %dot_general3A_37 = tpu.matmul %max3A_35, %get3A_20, %dot_general3A_36 {dimension_numbers = #tpu.dot_dimension_numbers<[1], [0], [0], [1], [0, 0, 1, 1], [], []>, transpose_lhs_hint = false} : vector<10000x32xf32>, vector<32x32xf32>, vector<10000x32xf32> -> vector<10000x32xf32>
    %add3A_38 = vector.broadcast %get3A_23 : vector<1x32xf32> to vector<10000x32xf32>
    %add3A_39 = arith.addf %dot_general3A_37, %add3A_38 : vector<10000x32xf32>
    %max3A_40 = arith.constant 0.000000e+00 : f32
    %max3A_41 = vector.broadcast %max3A_40 : f32 to vector<10000x32xf32>
    %max3A_42 = arith.maximumf %add3A_39, %max3A_41 : vector<10000x32xf32>
    %reduce_sum3A = arith.constant dense<0.000000e+00> : vector<32xf32>
    %reduce_sum3A_43 = vector.multi_reduction <add>, %max3A_42, %reduce_sum3A [0] : vector<10000x32xf32> to vector<32xf32>
    %broadcast_in_dim3A = vector.shape_cast %reduce_sum3A_43 : vector<32xf32> to vector<1x32xf32>
    %div3A = arith.constant 1.000000e+04 : f32
    %div3A_44 = vector.broadcast %div3A : f32 to vector<1x32xf32>
    %div3A_45 = arith.divf %broadcast_in_dim3A, %div3A_44 : vector<1x32xf32>
    %sub3A = vector.broadcast %div3A_45 : vector<1x32xf32> to vector<10000x32xf32>
    %sub3A_46 = arith.subf %max3A_42, %sub3A : vector<10000x32xf32>
    %sub3A_47 = vector.broadcast %div3A_45 : vector<1x32xf32> to vector<10000x32xf32>
    %sub3A_48 = arith.subf %max3A_42, %sub3A_47 : vector<10000x32xf32>
    %mul3A = arith.mulf %sub3A_46, %sub3A_48 : vector<10000x32xf32>
    %reduce_sum3A_49 = arith.constant dense<0.000000e+00> : vector<32xf32>
    %reduce_sum3A_50 = vector.multi_reduction <add>, %mul3A, %reduce_sum3A_49 [0] : vector<10000x32xf32> to vector<32xf32>
    %broadcast_in_dim3A_51 = vector.shape_cast %reduce_sum3A_50 : vector<32xf32> to vector<1x32xf32>
    %div3A_52 = arith.constant 1.000000e+04 : f32
    %div3A_53 = vector.broadcast %div3A_52 : f32 to vector<1x32xf32>
    %div3A_54 = arith.divf %broadcast_in_dim3A_51, %div3A_53 : vector<1x32xf32>
    %sub3A_55 = vector.broadcast %div3A_45 : vector<1x32xf32> to vector<10000x32xf32>
    %sub3A_56 = arith.subf %max3A_42, %sub3A_55 : vector<10000x32xf32>
    %mul3A_57 = vector.broadcast %get3A_26 : vector<1x32xf32> to vector<10000x32xf32>
    %mul3A_58 = arith.mulf %mul3A_57, %sub3A_56 : vector<10000x32xf32>
    %add3A_59 = arith.constant 9.99999974E-6 : f32
    %add3A_60 = vector.broadcast %add3A_59 : f32 to vector<1x32xf32>
    %add3A_61 = arith.addf %div3A_54, %add3A_60 : vector<1x32xf32>
    %sqrt3A = math.sqrt %add3A_61 : vector<1x32xf32>
    %div3A_62 = vector.broadcast %sqrt3A : vector<1x32xf32> to vector<10000x32xf32>
    %div3A_63 = arith.divf %mul3A_58, %div3A_62 : vector<10000x32xf32>
    %add3A_64 = vector.broadcast %get3A_29 : vector<1x32xf32> to vector<10000x32xf32>
    %add3A_65 = arith.addf %div3A_63, %add3A_64 : vector<10000x32xf32>
    %swap3A = arith.constant 0 : index
    %swap3A_66 = arith.constant 0 : index
    %swap3A_67 = vector.load %arg8[%swap3A, %swap3A_66] : memref<10000x32xf32, #tpu.memory_space<vmem>>, vector<10000x32xf32>
    tpu.vector_store %arg8[%swap3A, %swap3A_66], %add3A_65 {strides = array<i32>} : memref<10000x32xf32, #tpu.memory_space<vmem>>, vector<10000x32xf32>,
    return
  }
}

module attributes {stable_mosaic.version = 14 : i64} {
  func.func @_final_body(%arg0: memref<10000x32xf32, #tpu.memory_space<vmem>>, %arg1: memref<2x10000x32xf32, #tpu.memory_space<vmem>>, %arg2: memref<32x32xf32, #tpu.memory_space<vmem>>, %arg3: memref<1x32xf32, #tpu.memory_space<vmem>>, %arg4: memref<32x32xf32, #tpu.memory_space<vmem>>, %arg5: memref<1x32xf32, #tpu.memory_space<vmem>>, %arg6: memref<1x32xf32, #tpu.memory_space<vmem>>, %arg7: memref<1x32xf32, #tpu.memory_space<vmem>>, %arg8: memref<10000x1xi32, #tpu.memory_space<vmem>>, %arg9: memref<32x32xf32, #tpu.memory_space<vmem>>, %arg10: memref<1x32xf32, #tpu.memory_space<vmem>>, %arg11: memref<32x10xf32, #tpu.memory_space<vmem>>, %arg12: memref<1x10xf32, #tpu.memory_space<vmem>>, %arg13: memref<128x10xf32, #tpu.memory_space<vmem>>) attributes {dimension_semantics = [], scalar_prefetch = 0 : i64, scratch_operands = 0 : i64, tpu.core_type = #tpu.core_type<tc>} {
    %get3A = arith.constant 0 : index
    %get3A_0 = arith.constant 0 : index
    %get3A_1 = vector.load %arg0[%get3A, %get3A_0] : memref<10000x32xf32, #tpu.memory_space<vmem>>, vector<10000x32xf32>
    %get3A_2 = arith.constant 0 : index
    %get3A_3 = arith.constant 0 : index
    %get3A_4 = arith.constant 0 : index
    %get3A_5 = vector.load %arg1[%get3A_2, %get3A_3, %get3A_4] : memref<2x10000x32xf32, #tpu.memory_space<vmem>>, vector<1x10000x32xf32>
    %get3A_6 = vector.shape_cast %get3A_5 : vector<1x10000x32xf32> to vector<10000x32xf32>
    %get3A_7 = arith.constant 1 : index
    %get3A_8 = arith.constant 0 : index
    %get3A_9 = arith.constant 0 : index
    %get3A_10 = vector.load %arg1[%get3A_7, %get3A_8, %get3A_9] : memref<2x10000x32xf32, #tpu.memory_space<vmem>>, vector<1x10000x32xf32>
    %get3A_11 = vector.shape_cast %get3A_10 : vector<1x10000x32xf32> to vector<10000x32xf32>
    %get3A_12 = arith.constant 0 : index
    %get3A_13 = arith.constant 0 : index
    %get3A_14 = vector.load %arg2[%get3A_12, %get3A_13] : memref<32x32xf32, #tpu.memory_space<vmem>>, vector<32x32xf32>
    %get3A_15 = arith.constant 0 : index
    %get3A_16 = arith.constant 0 : index
    %get3A_17 = vector.load %arg3[%get3A_15, %get3A_16] : memref<1x32xf32, #tpu.memory_space<vmem>>, vector<1x32xf32>
    %get3A_18 = arith.constant 0 : index
    %get3A_19 = arith.constant 0 : index
    %get3A_20 = vector.load %arg4[%get3A_18, %get3A_19] : memref<32x32xf32, #tpu.memory_space<vmem>>, vector<32x32xf32>
    %get3A_21 = arith.constant 0 : index
    %get3A_22 = arith.constant 0 : index
    %get3A_23 = vector.load %arg5[%get3A_21, %get3A_22] : memref<1x32xf32, #tpu.memory_space<vmem>>, vector<1x32xf32>
    %get3A_24 = arith.constant 0 : index
    %get3A_25 = arith.constant 0 : index
    %get3A_26 = vector.load %arg6[%get3A_24, %get3A_25] : memref<1x32xf32, #tpu.memory_space<vmem>>, vector<1x32xf32>
    %get3A_27 = arith.constant 0 : index
    %get3A_28 = arith.constant 0 : index
    %get3A_29 = vector.load %arg7[%get3A_27, %get3A_28] : memref<1x32xf32, #tpu.memory_space<vmem>>, vector<1x32xf32>
    %add3A = arith.addf %get3A_6, %get3A_11 : vector<10000x32xf32>
    %add3A_30 = arith.addf %get3A_1, %add3A : vector<10000x32xf32>
    %dot_general3A = arith.constant dense<0.000000e+00> : vector<10000x32xf32>
    %dot_general3A_31 = tpu.matmul %add3A_30, %get3A_14, %dot_general3A {dimension_numbers = #tpu.dot_dimension_numbers<[1], [0], [0], [1], [0, 0, 1, 1], [], []>, transpose_lhs_hint = false} : vector<10000x32xf32>, vector<32x32xf32>, vector<10000x32xf32> -> vector<10000x32xf32>
    %add3A_32 = vector.broadcast %get3A_17 : vector<1x32xf32> to vector<10000x32xf32>
    %add3A_33 = arith.addf %dot_general3A_31, %add3A_32 : vector<10000x32xf32>
    %max3A = arith.constant 0.000000e+00 : f32
    %max3A_34 = vector.broadcast %max3A : f32 to vector<10000x32xf32>
    %max3A_35 = arith.maximumf %add3A_33, %max3A_34 : vector<10000x32xf32>
    %dot_general3A_36 = arith.constant dense<0.000000e+00> : vector<10000x32xf32>
    %dot_general3A_37 = tpu.matmul %max3A_35, %get3A_20, %dot_general3A_36 {dimension_numbers = #tpu.dot_dimension_numbers<[1], [0], [0], [1], [0, 0, 1, 1], [], []>, transpose_lhs_hint = false} : vector<10000x32xf32>, vector<32x32xf32>, vector<10000x32xf32> -> vector<10000x32xf32>
    %add3A_38 = vector.broadcast %get3A_23 : vector<1x32xf32> to vector<10000x32xf32>
    %add3A_39 = arith.addf %dot_general3A_37, %add3A_38 : vector<10000x32xf32>
    %max3A_40 = arith.constant 0.000000e+00 : f32
    %max3A_41 = vector.broadcast %max3A_40 : f32 to vector<10000x32xf32>
    %max3A_42 = arith.maximumf %add3A_39, %max3A_41 : vector<10000x32xf32>
    %reduce_sum3A = arith.constant dense<0.000000e+00> : vector<32xf32>
    %reduce_sum3A_43 = vector.multi_reduction <add>, %max3A_42, %reduce_sum3A [0] : vector<10000x32xf32> to vector<32xf32>
    %broadcast_in_dim3A = vector.shape_cast %reduce_sum3A_43 : vector<32xf32> to vector<1x32xf32>
    %div3A = arith.constant 1.000000e+04 : f32
    %div3A_44 = vector.broadcast %div3A : f32 to vector<1x32xf32>
    %div3A_45 = arith.divf %broadcast_in_dim3A, %div3A_44 : vector<1x32xf32>
    %sub3A = vector.broadcast %div3A_45 : vector<1x32xf32> to vector<10000x32xf32>
    %sub3A_46 = arith.subf %max3A_42, %sub3A : vector<10000x32xf32>
    %sub3A_47 = vector.broadcast %div3A_45 : vector<1x32xf32> to vector<10000x32xf32>
    %sub3A_48 = arith.subf %max3A_42, %sub3A_47 : vector<10000x32xf32>
    %mul3A = arith.mulf %sub3A_46, %sub3A_48 : vector<10000x32xf32>
    %reduce_sum3A_49 = arith.constant dense<0.000000e+00> : vector<32xf32>
    %reduce_sum3A_50 = vector.multi_reduction <add>, %mul3A, %reduce_sum3A_49 [0] : vector<10000x32xf32> to vector<32xf32>
    %broadcast_in_dim3A_51 = vector.shape_cast %reduce_sum3A_50 : vector<32xf32> to vector<1x32xf32>
    %div3A_52 = arith.constant 1.000000e+04 : f32
    %div3A_53 = vector.broadcast %div3A_52 : f32 to vector<1x32xf32>
    %div3A_54 = arith.divf %broadcast_in_dim3A_51, %div3A_53 : vector<1x32xf32>
    %sub3A_55 = vector.broadcast %div3A_45 : vector<1x32xf32> to vector<10000x32xf32>
    %sub3A_56 = arith.subf %max3A_42, %sub3A_55 : vector<10000x32xf32>
    %mul3A_57 = vector.broadcast %get3A_26 : vector<1x32xf32> to vector<10000x32xf32>
    %mul3A_58 = arith.mulf %mul3A_57, %sub3A_56 : vector<10000x32xf32>
    %add3A_59 = arith.constant 9.99999974E-6 : f32
    %add3A_60 = vector.broadcast %add3A_59 : f32 to vector<1x32xf32>
    %add3A_61 = arith.addf %div3A_54, %add3A_60 : vector<1x32xf32>
    %sqrt3A = math.sqrt %add3A_61 : vector<1x32xf32>
    %div3A_62 = vector.broadcast %sqrt3A : vector<1x32xf32> to vector<10000x32xf32>
    %div3A_63 = arith.divf %mul3A_58, %div3A_62 : vector<10000x32xf32>
    %add3A_64 = vector.broadcast %get3A_29 : vector<1x32xf32> to vector<10000x32xf32>
    %add3A_65 = arith.addf %div3A_63, %add3A_64 : vector<10000x32xf32>
    %get3A_66 = arith.constant 0 : index
    %get3A_67 = arith.constant 0 : index
    %get3A_68 = vector.load %arg8[%get3A_66, %get3A_67] : memref<10000x1xi32, #tpu.memory_space<vmem>>, vector<10000x1xi32>
    %iota3A = tpu.iota {dimensions = array<i32: 1>} : vector<10000x128xi32>
    %eq3A = vector.broadcast %get3A_68 : vector<10000x1xi32> to vector<10000x128xi32>
    %eq3A_69 = arith.cmpi eq, %eq3A, %iota3A : vector<10000x128xi32>
    %convert_element_type3A = arith.extui %eq3A_69 : vector<10000x128xi1> to vector<10000x128xi32>
    %convert_element_type3A_70 = arith.sitofp %convert_element_type3A : vector<10000x128xi32> to vector<10000x128xf32>
    %dot_general3A_71 = arith.constant dense<0.000000e+00> : vector<128x32xf32>
    %dot_general3A_72 = tpu.matmul %convert_element_type3A_70, %add3A_65, %dot_general3A_71 {dimension_numbers = #tpu.dot_dimension_numbers<[0], [0], [1], [1], [0, 1, 1, 1], [], []>, precision = #tpu.contract_precision<fp32>, transpose_lhs_hint = false} : vector<10000x128xf32>, vector<10000x32xf32>, vector<128x32xf32> -> vector<128x32xf32>
    %get3A_73 = arith.constant 0 : index
    %get3A_74 = arith.constant 0 : index
    %get3A_75 = vector.load %arg9[%get3A_73, %get3A_74] : memref<32x32xf32, #tpu.memory_space<vmem>>, vector<32x32xf32>
    %dot_general3A_76 = arith.constant dense<0.000000e+00> : vector<128x32xf32>
    %dot_general3A_77 = tpu.matmul %dot_general3A_72, %get3A_75, %dot_general3A_76 {dimension_numbers = #tpu.dot_dimension_numbers<[1], [0], [0], [1], [0, 0, 1, 1], [], []>, transpose_lhs_hint = false} : vector<128x32xf32>, vector<32x32xf32>, vector<128x32xf32> -> vector<128x32xf32>
    %get3A_78 = arith.constant 0 : index
    %get3A_79 = arith.constant 0 : index
    %get3A_80 = vector.load %arg10[%get3A_78, %get3A_79] : memref<1x32xf32, #tpu.memory_space<vmem>>, vector<1x32xf32>
    %add3A_81 = vector.broadcast %get3A_80 : vector<1x32xf32> to vector<128x32xf32>
    %add3A_82 = arith.addf %dot_general3A_77, %add3A_81 : vector<128x32xf32>
    %max3A_83 = arith.constant 0.000000e+00 : f32
    %max3A_84 = vector.broadcast %max3A_83 : f32 to vector<128x32xf32>
    %max3A_85 = arith.maximumf %add3A_82, %max3A_84 : vector<128x32xf32>
    %get3A_86 = arith.constant 0 : index
    %get3A_87 = arith.constant 0 : index
    %get3A_88 = vector.load %arg11[%get3A_86, %get3A_87] : memref<32x10xf32, #tpu.memory_space<vmem>>, vector<32x10xf32>
    %dot_general3A_89 = arith.constant dense<0.000000e+00> : vector<128x10xf32>
    %dot_general3A_90 = tpu.matmul %max3A_85, %get3A_88, %dot_general3A_89 {dimension_numbers = #tpu.dot_dimension_numbers<[1], [0], [0], [1], [0, 0, 1, 1], [], []>, transpose_lhs_hint = false} : vector<128x32xf32>, vector<32x10xf32>, vector<128x10xf32> -> vector<128x10xf32>
    %get3A_91 = arith.constant 0 : index
    %get3A_92 = arith.constant 0 : index
    %get3A_93 = vector.load %arg12[%get3A_91, %get3A_92] : memref<1x10xf32, #tpu.memory_space<vmem>>, vector<1x10xf32>
    %add3A_94 = vector.broadcast %get3A_93 : vector<1x10xf32> to vector<128x10xf32>
    %add3A_95 = arith.addf %dot_general3A_90, %add3A_94 : vector<128x10xf32>
    %reduce_max3A = arith.constant dense<0xFF800000> : vector<128xf32>
    %reduce_max3A_96 = vector.multi_reduction <maximumf>, %add3A_95, %reduce_max3A [1] : vector<128x10xf32> to vector<128xf32>
    %broadcast_in_dim3A_97 = vector.shape_cast %reduce_max3A_96 : vector<128xf32> to vector<128x1xf32>
    %sub3A_98 = vector.broadcast %broadcast_in_dim3A_97 : vector<128x1xf32> to vector<128x10xf32>
    %sub3A_99 = arith.subf %add3A_95, %sub3A_98 : vector<128x10xf32>
    %exp3A = math.exp %sub3A_99 : vector<128x10xf32>
    %reduce_sum3A_100 = arith.constant dense<0.000000e+00> : vector<128xf32>
    %reduce_sum3A_101 = vector.multi_reduction <add>, %exp3A, %reduce_sum3A_100 [1] : vector<128x10xf32> to vector<128xf32>
    %broadcast_in_dim3A_102 = vector.shape_cast %reduce_sum3A_101 : vector<128xf32> to vector<128x1xf32>
    %log3A = math.log %broadcast_in_dim3A_102 : vector<128x1xf32>
    %sub3A_103 = vector.broadcast %log3A : vector<128x1xf32> to vector<128x10xf32>
    %sub3A_104 = arith.subf %sub3A_99, %sub3A_103 : vector<128x10xf32>
    %swap3A = arith.constant 0 : index
    %swap3A_105 = arith.constant 0 : index
    %swap3A_106 = vector.load %arg13[%swap3A, %swap3A_105] : memref<128x10xf32, #tpu.memory_space<vmem>>, vector<128x10xf32>
    tpu.vector_store %arg13[%swap3A, %swap3A_105], %sub3A_104 {strides = array<i32>} : memref<128x10xf32, #tpu.memory_space<vmem>>, vector<128x10xf32>,
    return
  }
}

</mosaic_0001>

<sc_bundles>
// kernel: kernel.11.cloned.1.call-start
scs
__scs_entry_jumppad:
0x0: {  	(pc) =	sbr.rel $0x88, $3  }
0x1: {  	(tag) =	ssettag $0x0;
	lr =	simm.s32 $0x1  }
0x2: {  	[smem:$0x3F88] =	sst lr;
	_ =	strace $0xD0000000  }
0x3: {  	_ = 	snop  }
0x4: {  	_ = 	snop  }
0x5: {  	_ = 	snop  }
0x6: {  	_ = 	snop  }
0x7: {  	_ = 	snop  }
__scs_overlays_trampoline_lowered:
0x8: {  	[smem:$0x3F97] =	sst s0  }
0x9: {  	[smem:$0x3F98] =	sst s1  }
0xa: {  	[smem:$0x3F99] =	sst s2  }
0xb: {  	[smem:$0x3F9A] =	sst s3  }
0xc: {  	[smem:$0x3F9B] =	sst s4  }
0xd: {  	[smem:$0x3F9C] =	sst s5  }
0xe: {  	[smem:$0x3F9D] =	sst s6  }
0xf: {  	[smem:$0x3F9E] =	sst s7  }
0x10: {  	[smem:$0x3F9F] =	sst s8  }
0x11: {  	[smem:$0x3FA0] =	sst s9;
	s0 =	simm.s32 @!p0 $0x0  }
0x12: {  	s1 =	sld [smem:$0x3F86];
	s0 =	simm.s32 @p0 $0x1  }
0x13: {  	[smem:$0x3FA1] =	sst s0;
	s0 =	simm.s32 @!p1 $0x0  }
0x14: {  	s2 =	sld [smem:$0x3F85];
	s0 =	simm.s32 @p1 $0x1  }
0x15: {  	[smem:$0x3FA2] =	sst s0;
	s0 =	simm.s32 @!p2 $0x0  }
0x16: {  	s3 =	sld [smem:$0x3FDB];
	s0 =	simm.s32 @p2 $0x1  }
0x17: {  	s4 =	simm.s32 $0x1BF5;
	[smem:$0x3FA4] =	sst s0  }
0x18: {  	s0 =	sld [smem:$0x3F87];
	_ =	swait.ge [sflag:s4], $0x0  }
0x19: {  	s7 =	sld [smem:$0x3F88]  }
0x1a: {  	s8 =	sadd.s32 $0xFFFFE003, lr  }
0x1b: {  	s9 =	sadd.s32 $0xFFFFFEF7, lr;
	s5 =	simm.s32 $0xFFFFFFFF;
	p2 =	slt.u32 s8, $0xFFFFF086  }
0x1c: {  	p1 =	slt.u32 s9, $0xF7A;
	s5 =	simm.s32 @!p2 $0x0  }
0x1d: {  	s5 =	simm.s32 @p1 $0x1;
	p0 =	seq.s32 s7, s2  }
0x1e: {  	s7 =	smul.u32 @!p0 $0xF7A, s2;
	p2 =	seq.s32 @!p0 s5, $0x0  }
0x1f: {  	s9 =	smul.u32 $0xF7A, s1;
	s8 =	simm.s32 @!p0 $0x1BF5;
	p2 =	por !p2, p0  }
0x20: {  	[sflag:s8] =	ssyncset.s32 @!p0 $0xFFFFF086;
	s6 =	sadd.s32 @!p0 s3, s7;
	s7 =	simm.s32 @!p0 $0x108  }
0x21: {  	s3 =	sadd.s32 s3, s9;
	s6 =	sadd.s32 @!p0 $0x88, s6;
	s7 =	simm.s32 @p2 $0x1082  }
0x22: {  	[simem:s7], [sflag:s8] =	dma.local @!p0 [hbm:s6], $0xF7A  }
0x23: {  	s9 =	sor.u32 $0xD0000000, s2;
	s6 =	simm.s32 $0x108;
	_ =	swait.ge @!p0 [sflag:s8], $0x0  }
0x24: {  	s3 =	sadd.s32 $0x88, s3;
	s6 =	simm.s32 @!p1 $0x1082;
	[sflag:s4] =	ssyncset.s32 $0xFFFFF086  }
0x25: {  	[simem:s6], [sflag:s4] =	dma.local [hbm:s3], $0xF7A  }
0x26: {  	[smem:$0x3F88] =	sst s1;
	(tag) =	ssettag s2;
	_ =	strace s9  }
0x27: {  	s1 =	sld [smem:$0x3F98]  }
0x28: {  	s2 =	sld [smem:$0x3F99]  }
0x29: {  	s4 =	sld [smem:$0x3F9B]  }
0x2a: {  	p0 =	seq.s32 s5, $0x0;
	s5 =	sld [smem:$0x3F9C]  }
0x2b: {  	s6 =	sld [smem:$0x3F9D]  }
0x2c: {  	s7 =	sld [smem:$0x3F9E]  }
0x2d: {  	s3 =	simm.s32 $0x108;
	s8 =	sld [smem:$0x3F9F]  }
0x2e: {  	s3 =	simm.s32 @!p0 $0x1082;
	s9 =	sld [smem:$0x3FA0]  }
0x2f: {  	lr =	sadd.s32 s0, s3;
	s0 =	sld [smem:$0x3F97]  }
0x30: {  	s3 =	sld [smem:$0x3F9A]  }
0x31: {  	[smem:$0x3FA3] =	sst s10  }
0x32: {  	s10 =	sld [smem:$0x3FA1];
	_ =	sdelay $0x3  }
0x33: {  	p0 =	seq.s32 s10, $0x1;
	s10 =	sld [smem:$0x3FA3];
	_ =	sdelay $0x3  }
0x34: {  	[smem:$0x3FA3] =	sst s10  }
0x35: {  	s10 =	sld [smem:$0x3FA2];
	_ =	sdelay $0x3  }
0x36: {  	p1 =	seq.s32 s10, $0x1;
	s10 =	sld [smem:$0x3FA3];
	_ =	sdelay $0x3  }
0x37: {  	[smem:$0x3FA3] =	sst s10  }
0x38: {  	s10 =	sld [smem:$0x3FA4]  }
0x39: {  	_ = 	snop;
	(pc) =	sbr.ind lr, $3  }
0x3a: {  	_ = 	snop  }
0x3b: {  	_ = 	snop  }
0x3c: {  	p2 =	seq.s32 s10, $0x1;
	s10 =	sld [smem:$0x3FA3]  }
0x3d: {  	_ =	shalt  }
0x3e: {  	_ =	shalt  }
0x3f: {  	_ =	shalt  }
0x40: {  	_ =	shalt  }
0x41: {  	_ =	shalt  }
0x42: {  	_ =	shalt  }
0x43: {  	_ =	shalt  }
0x44: {  	_ =	shalt  }
0x45: {  	_ =	shalt  }
0x46: {  	_ =	shalt  }
0x47: {  	_ =	shalt  }
0x48: {  	_ =	shalt  }
0x49: {  	_ =	shalt  }
0x4a: {  	_ =	shalt  }
0x4b: {  	_ =	shalt  }
0x4c: {  	_ =	shalt  }
0x4d: {  	_ =	shalt  }
0x4e: {  	_ =	shalt  }
0x4f: {  	_ =	shalt  }
0x50: {  	_ =	shalt  }
0x51: {  	_ =	shalt  }
0x52: {  	_ =	shalt  }
0x53: {  	_ =	shalt  }
0x54: {  	_ =	shalt  }
0x55: {  	_ =	shalt  }
0x56: {  	_ =	shalt  }
0x57: {  	_ =	shalt  }
0x58: {  	_ =	shalt  }
0x59: {  	_ =	shalt  }
0x5a: {  	_ =	shalt  }
0x5b: {  	_ =	shalt  }
0x5c: {  	_ =	shalt  }
0x5d: {  	_ =	shalt  }
0x5e: {  	_ =	shalt  }
0x5f: {  	_ =	shalt  }
0x60: {  	_ =	shalt  }
0x61: {  	_ =	shalt  }
0x62: {  	_ =	shalt  }
0x63: {  	_ =	shalt  }
0x64: {  	_ =	shalt  }
0x65: {  	_ =	shalt  }
0x66: {  	_ =	shalt  }
0x67: {  	_ =	shalt  }
0x68: {  	_ =	shalt  }
0x69: {  	_ =	shalt  }
0x6a: {  	_ =	shalt  }
0x6b: {  	_ =	shalt  }
0x6c: {  	_ =	shalt  }
0x6d: {  	_ =	shalt  }
0x6e: {  	_ =	shalt  }
0x6f: {  	_ =	shalt  }
0x70: {  	_ =	shalt  }
0x71: {  	_ =	shalt  }
0x72: {  	_ =	shalt  }
0x73: {  	_ =	shalt  }
0x74: {  	_ =	shalt  }
0x75: {  	_ =	shalt  }
0x76: {  	_ =	shalt  }
0x77: {  	_ =	shalt  }
0x78: {  	_ =	shalt  }
0x79: {  	_ =	shalt  }
0x7a: {  	_ =	shalt  }
0x7b: {  	_ =	shalt  }
0x7c: {  	_ =	shalt  }
0x7d: {  	_ =	shalt  }
0x7e: {  	_ =	shalt  }
0x7f: {  	_ =	shalt  }
0x80: {  	_ =	shalt  }
0x81: {  	_ =	shalt  }
0x82: {  	_ =	shalt  }
0x83: {  	_ =	shalt  }
0x84: {  	_ =	shalt  }
0x85: {  	_ =	shalt  }
0x86: {  	_ =	shalt  }
0x87: {  	_ =	shalt  }
.Lfunc_end0:
.L_simem_size_0:
called_computation.1_lowered:
.L_overlay_start_0:
0x88: {  	s2 =	sld [smem:$0x3FD9]  }
0x89: {  	s3 =	sld [smem:$0x3FFE];
	_ =	sdelay $0x1  }
0x8a: {  	s1 =	srdreg.scid  }
0x8b: {  	s0 =	sand.u32 $0x1, s1  }
0x8c: {  	s16 =	sshll.u32 s0, $0xA;
	s2 =	sadd.s32 s3, s2  }
0x8d: {  	s2 =	sadd.s32 s2, s16  }
0x8e: {  	[smem:$0x3FAF] =	sst s2  }
0x8f: {  	_ = 	snop  }
0x90: {  	(tm) =	ssettm $0x1  }
0x91: {  	s17 =	sld [smem:$0x3FFB];
	_ =	sdelay $0x3  }
0x92: {  	_ =	strace s17  }
0x93: {  	s2 =	sld [smem:$0x3FFC];
	_ =	sdelay $0x3  }
0x94: {  	_ =	strace s2  }
0x95: {  	s2 =	sld [smem:$0x3FFD];
	_ =	sdelay $0x3  }
0x96: {  	_ =	strace s2  }
0x97: {  	_ =	strace $0x8FFFFFFF  }
0x98: {  	s18 =	sld [smem:$0x3FDB];
	_ =	sdelay $0x1  }
0x99: {  	s19 =	simm.s32 $_scs_section_size  }
0x9a: {  	s4 =	simm.s32 $_size__tile_overlayer_lowered;
	s5 =	simm.s32 $_tile_overlayer_lowered  }
0x9b: {  	s22 =	simm.s32 $0x1BFF;
	s21 =	sshll.u32 s5, $0x1;
	s2 =	sadd.s32 s19, s18  }
0x9c: {  	s6 =	simm.s32 $0x0;
	s20 =	sshll.u32 s4, $0x1;
	s4 =	sadd.s32 s21, s2  }
0x9d: {  	[timem:s6], [sflag:s22] =	dma.local [hbm:s4], s20  }
0x9e: {  	_ =	swait.ge [sflag:s22], s20  }
0x9f: {  	s3 =	ssub.s32 $0x0, s20;
	[sflag:s22] =	ssyncset.done $0x0  }
0xa0: {  	[sflag:s22] =	ssyncadd.s32 s3;
	_ =	sdelay $0x1  }
0xa1: {  	s23 =	simm.s32 $0x1B8B  }
0xa2: {  	_ =	swait.ge [sflag:s23], $0x1  }
0xa3: {  	[sflag:s23] =	ssyncset.done $0x0  }
0xa4: {  	s25 =	simm.s32 $0x1B8E;
	s24 =	sld [smem:$0x3FFE];
	[sflag:s23] =	ssyncadd.s32 $0xFFFFFFFF  }
0xa5: {  	s26 =	simm.s32 $execute0_lowered;
	[smem:$0x3FD2] =	sst s25  }
0xa6: {  	s4 =	sshll.u32 s26, $0x1;
	_ =	strace $0x80000049;
	[dreg:$0x1] =	wrdreg $0xFFFFFFFF  }
0xa7: {  	s28 =	simm.s32 $_size_execute0_lowered;
	s2 =	sadd.s32 s2, s4;
	[dreg:$0x0] =	wrdreg $0x0  }
0xa8: {  	s4 =	sshll.u32 s28, $0x1;
	[dreg:$0x2] =	wrdreg s2  }
0xa9: {  	[dreg:$0x3] =	wrdreg s4  }
0xaa: {  	[dreg:$0x4] =	wrdreg $0xC0  }
0xab: {  	_ =	task [dreg:s6], $0x5FFFF  }
0xac: {  	[dreg:$0x1] =	wrdreg $0xFFFFFFFF  }
0xad: {  	[dreg:$0x0] =	wrdreg $0x60  }
0xae: {  	[dreg:$0x2] =	wrdreg s24  }
0xaf: {  	[dreg:$0x3] =	wrdreg $0x13200  }
0xb0: {  	[dreg:$0x4] =	wrdreg $0x9  }
0xb1: {  	_ =	task.clear_ibuf [dreg:s6], $0x5FFFF;
	_ =	strace $0x90000049  }
0xb2: {  	s29 =	simm.s32 $0x9;
	_ =	strace $0x8000004B  }
0xb3: {  	_ =	swait.ge [sflag:s29], $0x1  }
0xb4: {  	[sflag:s29] =	ssyncadd.s32 $0xFFFFFFFF  }
0xb5: {  	_ =	strace $0x9000004B  }
0xb6: {  	_ =	sfence  }
0xb7: {  	s30 =	sld [smem:$0x0];
	_ =	sdelay $0x2  }
0xb8: {  	s31 =	sshll.u32 s1, $0xD;
	s1 =	sshrl.u32 s1, $0x2  }
0xb9: {  	s3 =	sand.u32 $0x4000, s31;
	s1 =	sadd.s32 s1, s30  }
0xba: {  	s0 =	sor.u32 s3, s0;
	s1 =	sshll.u32 s1, $0x11  }
0xbb: {  	s0 =	sor.u32 s1, s0  }
0xbc: {  	s0 =	sadd.s32 $0x8F2B, s0  }
0xbd: {  	[sflag:s0] =	ssyncadd.remote.s32 $0x1  }
0xbe: {  	_ =	sfence.sel $0xFFFF  }
0xbf: {  	[dreg:$0x0] =	wrdreg $0xFFFFFFFF;
	(pc) =	sbr.abs _section_cstart, $3  }
0xc0: {  	[dreg:$0x1] =	wrdreg $0xFFFFFFFF  }
0xc1: {  	_ =	task.clear_ibuf [dreg:s6], $0x2FFFF;
	_ =	strace $0x9FFFFFFF  }
0xc2: {  	(tm) =	ssettm $0x7FFFFFFF  }
0xc3: {  	_ =	shalt  }
tec
execute0_lowered:
.L_overlay_start_1:
0x0: {  	(tag) =	ssettag $0x1  }
0x1: {  	s7 =	rddreg [dreg:$0x0]  }
0x2: {  	s2 =	rddreg [dreg:$0x1]  }
0x3: {  	s1 =	stileid.u32;
	s0 =	rddreg [dreg:$0x2]  }
0x4: {  	s3 =	simm.s32 $0x0;
	s6 =	srdreg.scid;
	s20 =	simm.s32 $0x1  }
0x5: {  	s21 =	simm.s32 $0x1100;
	s22 =	simm.s32 $0x1110;
	s23 =	simm.s32 $0x10  }
0x6: {  	s24 =	simm.s32 $0x1120;
	s25 =	simm.s32 $0x0;
	s10 =	smul.u32 $0x4E00, s1  }
0x7: {  	[smem:$0x7FF] =	sst s3;
	s4 =	sadd.s32 $0x17800, s7;
	s8 =	sand.u32 $0x1, s6  }
0x8: {  	s14 =	sadd.s32 $0xDA00, s7;
	s13 =	sadd.s32 $0x3C00, s7;
	s12 =	sadd.s32 $0x2B400, s7  }
0x9: {  	s30 =	sshll.u32 s1, $0x6;
	s17 =	sadd.s32 $0x4E000, s2;
	s19 =	smul.u32 $0x2710, s1  }
0xa: {  	p0 =	sne.s32 s1, $0xF;
	_ =	strace $0x8000004A;
	s31 =	smul.u32 $0x4E200, s8  }
0xb: {  	s6 =	ssub.s32 $0x2, s8;
	s9 =	sshll.u32 s8, $0x4;
	s18 =	smul.u32 $0x27100, s8  }
0xc: {  	s17 =	sshrl.u32 @!p0 s17, $0x3;
	s5 =	sshrl.u32 s10, $0x3;
	s11 =	sshrl.u32 s6, $0x1  }
0xd: {  	s9 =	sor.u32 s1, s9;
	s16 =	sadd.s32 s10, s2;
	s5 =	sadd.s32 s5, s7  }
0xe: {  	s15 =	ssub.s32 s6, s11;
	s9 =	smul.u32 $0x2710, s9;
	s6 =	sor.u32 $0x1C02, s30  }
0xf: {  	s7 =	sadd.s32 $0x2B200, s7;
	s10 =	sadd.s32 s10, s31;
	s11 =	sshrl.u32 s31, $0x3  }
0x10: {  	s18 =	sadd.s32 s19, s18;
	s19 =	simm.s32 $0x100;
	s5 =	sadd.s32 $0x21600, s5  }
0x11: {  	s10 =	sshrl.u32 s10, $0x3;
	s11 =	sadd.s32 s12, s11;
	s18 =	sshrl.u32 s18, $0x3  }
0x12: {  	s9 =	sshrl.u32 s9, $0x3;
	s10 =	sadd.s32 s12, s10;
	s11 =	sadd.s32 $0x9C00, s11  }
0x13: {  	s12 =	smax.u32 s15, $0x1;
	s15 =	sshrl.u32 s16, $0x3;
	s9 =	sadd.s32 $0x4E0, s9  }
0x14: {  	s16 =	simm.s32 $0x2;
	s8 =	sadd.s32 s14, s9;
	s9 =	sadd.s32 s13, s9  }
0x15: {  	s13 =	sadd.s32 s18, s13;
	s14 =	sadd.s32 s18, s14;
	s18 =	simm.s32 $0x80  }
.LBB2_1:
0x16: {  	[spmem:s15], [sflag:s6] =	dma.local [hbm:s5], $0x9C0  }
0x17: {  	_ =	swait.ge [sflag:s16], $0x9C0  }
0x18: {  	[sflag:s16] =	ssyncset.done $0x0  }
0x19: {  	s26 =	simm.s32 @!p0 $0x2;
	[sflag:s16] =	ssyncadd.s32 $0xFFFFF640  }
0x1a: {  	[spmem:s17], [sflag:s6] =	dma.local @!p0 [hbm:s7], $0x40  }
0x1b: {  	_ =	swait.ge @!p0 [sflag:s26], $0x40  }
0x1c: {  	[sflag:s26] =	ssyncset.done @!p0 $0x0  }
0x1d: {  	[sflag:s26] =	ssyncadd.s32 @!p0 $0xFFFFFFC0  }
0x1e: {  	s30 =	sadd.s32 $0x0, s14;
	[bflag:$0x0] =	sbarrier.arrive $0xFFFF  }
0x1f: {  	[tilespmem:s3], [sflag:$0x2] =	stream.linear.gather [hbm4b:s30+s3], $0x80, $0x38;
	[tilespmem:$0x6140] =	vst v63  }
0x20: {  	_ =	swait.ge [sflag:s16], $0x80  }
0x21: {  	[sflag:s16] =	ssyncset.done $0x0  }
0x22: {  	s31 =	sadd.s32 $0x0, s13;
	[sflag:s16] =	ssyncadd.s32 $0xFFFFFF80  }
0x23: {  	[tilespmem:s18], [sflag:$0x2] =	stream.linear.gather [hbm4b:s31+s3], $0x80, $0x38;
	[tilespmem:$0x6140] =	vst v63  }
0x24: {  	_ =	swait.ge [sflag:s16], $0x80  }
0x25: {  	[sflag:s16] =	ssyncset.done $0x0  }
0x26: {  	[sflag:s16] =	ssyncadd.s32 $0xFFFFFF80  }
0x27: {  	[tilespmem:s19], [sflag:$0x1] =	stream.indirect.gather [hbm4b:s4+s18], $0x20, s3, s18, $0xb8;
	[tilespmem:$0x6140] =	vst v63  }
0x28: {  	_ =	swait.ge [sflag:s20], $0x1000  }
0x29: {  	[sflag:s20] =	ssyncset.done $0x0  }
0x2a: {  	[sflag:s20] =	ssyncadd.s32 $0xFFFFF000  }
0x2b: {  	[spmem:s2] =	stream.indirect.scatter.add.f32 [tilespmem:s19], [sflag:$0x2], $0x20, s18, s18, $0xb8;
	[tilespmem:$0x6140] =	vst v63  }
0x2c: {  	_ =	swait.ge [sflag:s16], $0x1000  }
0x2d: {  	s28 =	simm.s32 $0x20;
	s26 =	simm.s32 $0x10;
	[sflag:s16] =	ssyncset.done $0x0  }
.LBB2_2:
0x2e: {  	s29 =	sadd.s32 s26, s14  }
0x2f: {  	[sflag:s16] =	ssyncadd.s32 $0xFFFFF000;
	s30 =	smov.u32 s28;
	s31 =	sadd.s32 $0x10, s28  }
0x30: {  	[tilespmem:s3], [sflag:$0x2] =	stream.linear.gather [hbm4b:s29+s3], $0x80, $0x38;
	[tilespmem:$0x6140] =	vst v63  }
0x31: {  	p1 =	sne.s32 s28, $0x4D0;
	_ =	swait.ge [sflag:s16], $0x80  }
0x32: {  	[sflag:s16] =	ssyncset.done $0x0  }
0x33: {  	s28 =	sadd.s32 s26, s13;
	s26 =	smov.u32 s30;
	[sflag:s16] =	ssyncadd.s32 $0xFFFFFF80  }
0x34: {  	[tilespmem:s18], [sflag:$0x2] =	stream.linear.gather [hbm4b:s28+s3], $0x80, $0x38;
	[tilespmem:$0x6140] =	vst v63  }
0x35: {  	_ =	swait.ge [sflag:s16], $0x80  }
0x36: {  	[sflag:s16] =	ssyncset.done $0x0  }
0x37: {  	[sflag:s16] =	ssyncadd.s32 $0xFFFFFF80  }
0x38: {  	[tilespmem:s19], [sflag:$0x1] =	stream.indirect.gather [hbm4b:s4+s18], $0x20, s3, s18, $0xb8;
	[tilespmem:$0x6140] =	vst v63  }
0x39: {  	_ =	swait.ge [sflag:s20], $0x1000  }
.Ltmp0:
0x3a: {  	[sflag:s20] =	ssyncset.done $0x0;
	(pc) =	sbr.rel @p1 .LBB2_2-.Ltmp0, $4  }
0x3b: {  	[sflag:s20] =	ssyncadd.s32 $0xFFFFF000  }
0x3c: {  	[spmem:s2] =	stream.indirect.scatter.add.f32 [tilespmem:s19], [sflag:$0x2], $0x20, s18, s18, $0xb8;
	[tilespmem:$0x6140] =	vst v63  }
0x3d: {  	_ =	swait.ge [sflag:s16], $0x1000  }
0x3e: {  	s28 =	smov.u32 s31;
	[sflag:s16] =	ssyncset.done $0x0  }
0x3f: {  	s28 =	sadd.s32 s26, s14;
	[sflag:s16] =	ssyncadd.s32 $0xFFFFF000  }
0x40: {  	[tilespmem:s3], [sflag:$0x2] =	stream.linear.gather [hbm4b:s28+s3], $0x80, $0x38;
	[tilespmem:$0x6140] =	vst v63  }
0x41: {  	_ =	swait.ge [sflag:s16], $0x80  }
0x42: {  	[sflag:s16] =	ssyncset.done $0x0  }
0x43: {  	s31 =	sadd.s32 s26, s13;
	[sflag:s16] =	ssyncadd.s32 $0xFFFFFF80  }
0x44: {  	[tilespmem:s18], [sflag:$0x2] =	stream.linear.gather [hbm4b:s31+s3], $0x80, $0x38;
	[tilespmem:$0x6140] =	vst v63  }
0x45: {  	_ =	swait.ge [sflag:s16], $0x80  }
0x46: {  	[sflag:s16] =	ssyncset.done $0x0  }
0x47: {  	[sflag:s16] =	ssyncadd.s32 $0xFFFFFF80  }
0x48: {  	[tilespmem:s19], [sflag:$0x1] =	stream.indirect.gather [hbm4b:s4+s18], $0x20, s3, s18, $0xb8;
	[tilespmem:$0x6140] =	vst v63  }
0x49: {  	_ =	swait.ge [sflag:s20], $0x1000  }
0x4a: {  	[sflag:s20] =	ssyncset.done $0x0  }
0x4b: {  	[sflag:s20] =	ssyncadd.s32 $0xFFFFF000  }
0x4c: {  	[spmem:s2] =	stream.indirect.scatter.add.f32 [tilespmem:s19], [sflag:$0x2], $0x20, s18, s18, $0xb8;
	[tilespmem:$0x6140] =	vst v63  }
0x4d: {  	_ =	swait.ge [sflag:s16], $0x1000  }
0x4e: {  	[sflag:s16] =	ssyncset.done $0x0  }
0x4f: {  	[sflag:s16] =	ssyncadd.s32 $0xFFFFF000  }
0x50: {  	[tilespmem:s21], [sflag:$0x2] =	stream.linear.gather [hbm4b:s8+s3], $0x10, $0x38;
	[tilespmem:$0x6140] =	vst v63  }
0x51: {  	_ =	swait.ge [sflag:s16], $0x10  }
0x52: {  	[sflag:s16] =	ssyncset.done $0x0  }
0x53: {  	[sflag:s16] =	ssyncadd.s32 $0xFFFFFFF0  }
0x54: {  	[tilespmem:s22], [sflag:$0x2] =	stream.linear.gather [hbm4b:s9+s3], $0x10, $0x38;
	[tilespmem:$0x6140] =	vst v63  }
0x55: {  	_ =	swait.ge [sflag:s16], $0x10  }
0x56: {  	[sflag:s16] =	ssyncset.done $0x0  }
0x57: {  	[sflag:s16] =	ssyncadd.s32 $0xFFFFFFF0  }
0x58: {  	[tilespmem:s24], [sflag:$0x1] =	stream.indirect.gather [hbm4b:s4+s23], $0x20, s21, s23, $0xb8;
	[tilespmem:$0x6140] =	vst v63  }
0x59: {  	_ =	swait.ge [sflag:s20], $0x200  }
0x5a: {  	[sflag:s20] =	ssyncset.done $0x0  }
0x5b: {  	[sflag:s20] =	ssyncadd.s32 $0xFFFFFE00  }
0x5c: {  	[spmem:s2] =	stream.indirect.scatter.add.f32 [tilespmem:s24], [sflag:$0x2], $0x20, s22, s23, $0xb8;
	[tilespmem:$0x6140] =	vst v63  }
0x5d: {  	_ =	swait.ge [sflag:s16], $0x200  }
0x5e: {  	[sflag:s16] =	ssyncset.done $0x0  }
0x5f: {  	[sflag:s16] =	ssyncadd.s32 $0xFFFFFE00  }
0x60: {  	[bflag:$0x0] =	sbarrier.arrive $0xFFFF  }
0x61: {  	[hbm:s10], [sflag:s6] =	dma.local [spmem:s15], $0x9C0  }
0x62: {  	s25 =	sadd.s32 $0x1, s25;
	_ =	swait.ge [sflag:s16], $0x9C0  }
0x63: {  	p1 =	sne.s32 s25, s12;
	[sflag:s16] =	ssyncset.done $0x0  }
.Ltmp1:
0x64: {  	s26 =	simm.s32 @!p0 $0x2;
	[sflag:s16] =	ssyncadd.s32 $0xFFFFF640;
	(pc) =	sbr.rel @p1 .LBB2_1-.Ltmp1, $4  }
0x65: {  	[hbm:s11], [sflag:s6] =	dma.local @!p0 [spmem:s17], $0x40  }
0x66: {  	_ =	swait.ge @!p0 [sflag:s26], $0x40  }
0x67: {  	[sflag:s26] =	ssyncset.done @!p0 $0x0  }
0x68: {  	[sflag:s26] =	ssyncadd.s32 @!p0 $0xFFFFFFC0  }
0x69: {  	_ =	sfence.sel $0x180000  }
0x6a: {  	[bflag:$0x0] =	sbarrier.arrive $0xFFFF  }
0x6b: {  	p0 =	sne.s32 s1, $0x0;
	_ =	strace $0x9000004A  }
0x6c: {  	s0 =	sadd.s32 @!p0 $0x100000, s0;
	[bflag:$0x2] =	sbarrier.arrive $0xFFFF  }
0x6d: {  	[sflag:s0] =	ssyncadd.tile.s32 @!p0 $0x1;
	_ =	shalt  }
.Lfunc_end2:
_tile_overlayer_lowered:
.L_overlay_start_2:
0x6e: {  	(tag) =	ssettag $0x2  }
0x6f: {  	s0 =	rddreg [dreg:$0x0];
	s2 =	stileid.u32  }
0x70: {  	s1 =	rddreg [dreg:$0x1];
	p0 =	sne.s32 s2, $0x0  }
0x71: {  	s3 =	rddreg [dreg:$0x2];
	[bflag:$0x3] =	sbarrier.arrive $0xFFFF;
	s2 =	simm.s32 @!p0 $0x1C02  }
0x72: {  	[timem:s3], [sflag:s2] =	dma.local @!p0 [hbm:s0], s1  }
0x73: {  	s0 =	simm.s32 @!p0 $0x2  }
0x74: {  	_ =	swait.ge @!p0 [sflag:s0], s1  }
0x75: {  	s1 =	ssub.s32 @!p0 $0x0, s1;
	[sflag:s0] =	ssyncset.done @!p0 $0x0  }
0x76: {  	[sflag:s0] =	ssyncadd.s32 @!p0 s1  }
0x77: {  	[bflag:$0x3] =	sbarrier.arrive $0xFFFF  }
0x78: {  	_ =	shalt  }

// kernel: kernel.14.cloned.1.call-start
scs
__scs_entry_jumppad:
0x0: {  	(pc) =	sbr.rel $0x88, $3  }
0x1: {  	(tag) =	ssettag $0x0;
	lr =	simm.s32 $0x1  }
0x2: {  	[smem:$0x3F88] =	sst lr;
	_ =	strace $0xD0000000  }
0x3: {  	_ = 	snop  }
0x4: {  	_ = 	snop  }
0x5: {  	_ = 	snop  }
0x6: {  	_ = 	snop  }
0x7: {  	_ = 	snop  }
__scs_overlays_trampoline_lowered:
0x8: {  	[smem:$0x3F97] =	sst s0  }
0x9: {  	[smem:$0x3F98] =	sst s1  }
0xa: {  	[smem:$0x3F99] =	sst s2  }
0xb: {  	[smem:$0x3F9A] =	sst s3  }
0xc: {  	[smem:$0x3F9B] =	sst s4  }
0xd: {  	[smem:$0x3F9C] =	sst s5  }
0xe: {  	[smem:$0x3F9D] =	sst s6  }
0xf: {  	[smem:$0x3F9E] =	sst s7  }
0x10: {  	[smem:$0x3F9F] =	sst s8  }
0x11: {  	[smem:$0x3FA0] =	sst s9;
	s0 =	simm.s32 @!p0 $0x0  }
0x12: {  	s1 =	sld [smem:$0x3F86];
	s0 =	simm.s32 @p0 $0x1  }
0x13: {  	[smem:$0x3FA1] =	sst s0;
	s0 =	simm.s32 @!p1 $0x0  }
0x14: {  	s2 =	sld [smem:$0x3F85];
	s0 =	simm.s32 @p1 $0x1  }
0x15: {  	[smem:$0x3FA2] =	sst s0;
	s0 =	simm.s32 @!p2 $0x0  }
0x16: {  	s3 =	sld [smem:$0x3FDB];
	s0 =	simm.s32 @p2 $0x1  }
0x17: {  	s4 =	simm.s32 $0x1BF5;
	[smem:$0x3FA4] =	sst s0  }
0x18: {  	s0 =	sld [smem:$0x3F87];
	_ =	swait.ge [sflag:s4], $0x0  }
0x19: {  	s7 =	sld [smem:$0x3F88]  }
0x1a: {  	s8 =	sadd.s32 $0xFFFFE003, lr  }
0x1b: {  	s9 =	sadd.s32 $0xFFFFFEF7, lr;
	s5 =	simm.s32 $0xFFFFFFFF;
	p2 =	slt.u32 s8, $0xFFFFF086  }
0x1c: {  	p1 =	slt.u32 s9, $0xF7A;
	s5 =	simm.s32 @!p2 $0x0  }
0x1d: {  	s5 =	simm.s32 @p1 $0x1;
	p0 =	seq.s32 s7, s2  }
0x1e: {  	s7 =	smul.u32 @!p0 $0xF7A, s2;
	p2 =	seq.s32 @!p0 s5, $0x0  }
0x1f: {  	s9 =	smul.u32 $0xF7A, s1;
	s8 =	simm.s32 @!p0 $0x1BF5;
	p2 =	por !p2, p0  }
0x20: {  	[sflag:s8] =	ssyncset.s32 @!p0 $0xFFFFF086;
	s6 =	sadd.s32 @!p0 s3, s7;
	s7 =	simm.s32 @!p0 $0x108  }
0x21: {  	s3 =	sadd.s32 s3, s9;
	s6 =	sadd.s32 @!p0 $0x88, s6;
	s7 =	simm.s32 @p2 $0x1082  }
0x22: {  	[simem:s7], [sflag:s8] =	dma.local @!p0 [hbm:s6], $0xF7A  }
0x23: {  	s9 =	sor.u32 $0xD0000000, s2;
	s6 =	simm.s32 $0x108;
	_ =	swait.ge @!p0 [sflag:s8], $0x0  }
0x24: {  	s3 =	sadd.s32 $0x88, s3;
	s6 =	simm.s32 @!p1 $0x1082;
	[sflag:s4] =	ssyncset.s32 $0xFFFFF086  }
0x25: {  	[simem:s6], [sflag:s4] =	dma.local [hbm:s3], $0xF7A  }
0x26: {  	[smem:$0x3F88] =	sst s1;
	(tag) =	ssettag s2;
	_ =	strace s9  }
0x27: {  	s1 =	sld [smem:$0x3F98]  }
0x28: {  	s2 =	sld [smem:$0x3F99]  }
0x29: {  	s4 =	sld [smem:$0x3F9B]  }
0x2a: {  	p0 =	seq.s32 s5, $0x0;
	s5 =	sld [smem:$0x3F9C]  }
0x2b: {  	s6 =	sld [smem:$0x3F9D]  }
0x2c: {  	s7 =	sld [smem:$0x3F9E]  }
0x2d: {  	s3 =	simm.s32 $0x108;
	s8 =	sld [smem:$0x3F9F]  }
0x2e: {  	s3 =	simm.s32 @!p0 $0x1082;
	s9 =	sld [smem:$0x3FA0]  }
0x2f: {  	lr =	sadd.s32 s0, s3;
	s0 =	sld [smem:$0x3F97]  }
0x30: {  	s3 =	sld [smem:$0x3F9A]  }
0x31: {  	[smem:$0x3FA3] =	sst s10  }
0x32: {  	s10 =	sld [smem:$0x3FA1];
	_ =	sdelay $0x3  }
0x33: {  	p0 =	seq.s32 s10, $0x1;
	s10 =	sld [smem:$0x3FA3];
	_ =	sdelay $0x3  }
0x34: {  	[smem:$0x3FA3] =	sst s10  }
0x35: {  	s10 =	sld [smem:$0x3FA2];
	_ =	sdelay $0x3  }
0x36: {  	p1 =	seq.s32 s10, $0x1;
	s10 =	sld [smem:$0x3FA3];
	_ =	sdelay $0x3  }
0x37: {  	[smem:$0x3FA3] =	sst s10  }
0x38: {  	s10 =	sld [smem:$0x3FA4]  }
0x39: {  	_ = 	snop;
	(pc) =	sbr.ind lr, $3  }
0x3a: {  	_ = 	snop  }
0x3b: {  	_ = 	snop  }
0x3c: {  	p2 =	seq.s32 s10, $0x1;
	s10 =	sld [smem:$0x3FA3]  }
0x3d: {  	_ =	shalt  }
0x3e: {  	_ =	shalt  }
0x3f: {  	_ =	shalt  }
0x40: {  	_ =	shalt  }
0x41: {  	_ =	shalt  }
0x42: {  	_ =	shalt  }
0x43: {  	_ =	shalt  }
0x44: {  	_ =	shalt  }
0x45: {  	_ =	shalt  }
0x46: {  	_ =	shalt  }
0x47: {  	_ =	shalt  }
0x48: {  	_ =	shalt  }
0x49: {  	_ =	shalt  }
0x4a: {  	_ =	shalt  }
0x4b: {  	_ =	shalt  }
0x4c: {  	_ =	shalt  }
0x4d: {  	_ =	shalt  }
0x4e: {  	_ =	shalt  }
0x4f: {  	_ =	shalt  }
0x50: {  	_ =	shalt  }
0x51: {  	_ =	shalt  }
0x52: {  	_ =	shalt  }
0x53: {  	_ =	shalt  }
0x54: {  	_ =	shalt  }
0x55: {  	_ =	shalt  }
0x56: {  	_ =	shalt  }
0x57: {  	_ =	shalt  }
0x58: {  	_ =	shalt  }
0x59: {  	_ =	shalt  }
0x5a: {  	_ =	shalt  }
0x5b: {  	_ =	shalt  }
0x5c: {  	_ =	shalt  }
0x5d: {  	_ =	shalt  }
0x5e: {  	_ =	shalt  }
0x5f: {  	_ =	shalt  }
0x60: {  	_ =	shalt  }
0x61: {  	_ =	shalt  }
0x62: {  	_ =	shalt  }
0x63: {  	_ =	shalt  }
0x64: {  	_ =	shalt  }
0x65: {  	_ =	shalt  }
0x66: {  	_ =	shalt  }
0x67: {  	_ =	shalt  }
0x68: {  	_ =	shalt  }
0x69: {  	_ =	shalt  }
0x6a: {  	_ =	shalt  }
0x6b: {  	_ =	shalt  }
0x6c: {  	_ =	shalt  }
0x6d: {  	_ =	shalt  }
0x6e: {  	_ =	shalt  }
0x6f: {  	_ =	shalt  }
0x70: {  	_ =	shalt  }
0x71: {  	_ =	shalt  }
0x72: {  	_ =	shalt  }
0x73: {  	_ =	shalt  }
0x74: {  	_ =	shalt  }
0x75: {  	_ =	shalt  }
0x76: {  	_ =	shalt  }
0x77: {  	_ =	shalt  }
0x78: {  	_ =	shalt  }
0x79: {  	_ =	shalt  }
0x7a: {  	_ =	shalt  }
0x7b: {  	_ =	shalt  }
0x7c: {  	_ =	shalt  }
0x7d: {  	_ =	shalt  }
0x7e: {  	_ =	shalt  }
0x7f: {  	_ =	shalt  }
0x80: {  	_ =	shalt  }
0x81: {  	_ =	shalt  }
0x82: {  	_ =	shalt  }
0x83: {  	_ =	shalt  }
0x84: {  	_ =	shalt  }
0x85: {  	_ =	shalt  }
0x86: {  	_ =	shalt  }
0x87: {  	_ =	shalt  }
.Lfunc_end0:
.L_simem_size_0:
called_computation.2_lowered:
.L_overlay_start_0:
0x88: {  	s2 =	sld [smem:$0x3FD9]  }
0x89: {  	s3 =	sld [smem:$0x3FFE];
	_ =	sdelay $0x1  }
0x8a: {  	s1 =	srdreg.scid  }
0x8b: {  	s0 =	sand.u32 $0x1, s1  }
0x8c: {  	s16 =	sshll.u32 s0, $0xA;
	s2 =	sadd.s32 s3, s2  }
0x8d: {  	s2 =	sadd.s32 s2, s16  }
0x8e: {  	[smem:$0x3FAF] =	sst s2  }
0x8f: {  	_ = 	snop  }
0x90: {  	(tm) =	ssettm $0x1  }
0x91: {  	s17 =	sld [smem:$0x3FFB];
	_ =	sdelay $0x3  }
0x92: {  	_ =	strace s17  }
0x93: {  	s2 =	sld [smem:$0x3FFC];
	_ =	sdelay $0x3  }
0x94: {  	_ =	strace s2  }
0x95: {  	s2 =	sld [smem:$0x3FFD];
	_ =	sdelay $0x3  }
0x96: {  	_ =	strace s2  }
0x97: {  	_ =	strace $0x8FFFFFFF  }
0x98: {  	s18 =	sld [smem:$0x3FDB];
	_ =	sdelay $0x1  }
0x99: {  	s19 =	simm.s32 $_scs_section_size  }
0x9a: {  	s4 =	simm.s32 $_size__tile_overlayer_lowered;
	s5 =	simm.s32 $_tile_overlayer_lowered  }
0x9b: {  	s22 =	simm.s32 $0x1BFF;
	s21 =	sshll.u32 s5, $0x1;
	s2 =	sadd.s32 s19, s18  }
0x9c: {  	s6 =	simm.s32 $0x0;
	s20 =	sshll.u32 s4, $0x1;
	s4 =	sadd.s32 s21, s2  }
0x9d: {  	[timem:s6], [sflag:s22] =	dma.local [hbm:s4], s20  }
0x9e: {  	_ =	swait.ge [sflag:s22], s20  }
0x9f: {  	s3 =	ssub.s32 $0x0, s20;
	[sflag:s22] =	ssyncset.done $0x0  }
0xa0: {  	[sflag:s22] =	ssyncadd.s32 s3;
	_ =	sdelay $0x1  }
0xa1: {  	s23 =	simm.s32 $0x1B8B  }
0xa2: {  	_ =	swait.ge [sflag:s23], $0x1  }
0xa3: {  	[sflag:s23] =	ssyncset.done $0x0  }
0xa4: {  	s25 =	simm.s32 $0x1B8E;
	s24 =	sld [smem:$0x3FFE];
	[sflag:s23] =	ssyncadd.s32 $0xFFFFFFFF  }
0xa5: {  	s26 =	simm.s32 $execute0_lowered;
	[smem:$0x3FD2] =	sst s25  }
0xa6: {  	s4 =	sshll.u32 s26, $0x1;
	_ =	strace $0x8000004C;
	[dreg:$0x1] =	wrdreg $0xFFFFFFFF  }
0xa7: {  	s28 =	simm.s32 $_size_execute0_lowered;
	s2 =	sadd.s32 s2, s4;
	[dreg:$0x0] =	wrdreg $0x0  }
0xa8: {  	s4 =	sshll.u32 s28, $0x1;
	[dreg:$0x2] =	wrdreg s2  }
0xa9: {  	[dreg:$0x3] =	wrdreg s4  }
0xaa: {  	[dreg:$0x4] =	wrdreg $0xC0  }
0xab: {  	_ =	task [dreg:s6], $0x5FFFF  }
0xac: {  	[dreg:$0x1] =	wrdreg $0xFFFFFFFF  }
0xad: {  	[dreg:$0x0] =	wrdreg $0x60  }
0xae: {  	[dreg:$0x2] =	wrdreg s24  }
0xaf: {  	[dreg:$0x3] =	wrdreg $0x13200  }
0xb0: {  	[dreg:$0x4] =	wrdreg $0x9  }
0xb1: {  	_ =	task.clear_ibuf [dreg:s6], $0x5FFFF;
	_ =	strace $0x9000004C  }
0xb2: {  	s29 =	simm.s32 $0x9;
	_ =	strace $0x8000004E  }
0xb3: {  	_ =	swait.ge [sflag:s29], $0x1  }
0xb4: {  	[sflag:s29] =	ssyncadd.s32 $0xFFFFFFFF  }
0xb5: {  	_ =	strace $0x9000004E  }
0xb6: {  	_ =	sfence  }
0xb7: {  	s30 =	sld [smem:$0x0];
	_ =	sdelay $0x2  }
0xb8: {  	s31 =	sshll.u32 s1, $0xD;
	s1 =	sshrl.u32 s1, $0x2  }
0xb9: {  	s3 =	sand.u32 $0x4000, s31;
	s1 =	sadd.s32 s1, s30  }
0xba: {  	s0 =	sor.u32 s3, s0;
	s1 =	sshll.u32 s1, $0x11  }
0xbb: {  	s0 =	sor.u32 s1, s0  }
0xbc: {  	s0 =	sadd.s32 $0x8F2B, s0  }
0xbd: {  	[sflag:s0] =	ssyncadd.remote.s32 $0x1  }
0xbe: {  	_ =	sfence.sel $0xFFFF  }
0xbf: {  	[dreg:$0x0] =	wrdreg $0xFFFFFFFF;
	(pc) =	sbr.abs _section_cstart, $3  }
0xc0: {  	[dreg:$0x1] =	wrdreg $0xFFFFFFFF  }
0xc1: {  	_ =	task.clear_ibuf [dreg:s6], $0x2FFFF;
	_ =	strace $0x9FFFFFFF  }
0xc2: {  	(tm) =	ssettm $0x7FFFFFFF  }
0xc3: {  	_ =	shalt  }
tec
execute0_lowered:
.L_overlay_start_1:
0x0: {  	(tag) =	ssettag $0x1  }
0x1: {  	s7 =	rddreg [dreg:$0x0]  }
0x2: {  	s2 =	rddreg [dreg:$0x1]  }
0x3: {  	s1 =	stileid.u32;
	s0 =	rddreg [dreg:$0x2]  }
0x4: {  	s3 =	simm.s32 $0x0;
	s6 =	srdreg.scid;
	s20 =	simm.s32 $0x1  }
0x5: {  	s21 =	simm.s32 $0x1100;
	s22 =	simm.s32 $0x1110;
	s23 =	simm.s32 $0x10  }
0x6: {  	s24 =	simm.s32 $0x1120;
	s25 =	simm.s32 $0x0;
	s10 =	smul.u32 $0x4E00, s1  }
0x7: {  	[smem:$0x7FF] =	sst s3;
	s4 =	sadd.s32 $0x17800, s7;
	s8 =	sand.u32 $0x1, s6  }
0x8: {  	s14 =	sadd.s32 $0xDA00, s7;
	s13 =	sadd.s32 $0x3C00, s7;
	s12 =	sadd.s32 $0x2B400, s7  }
0x9: {  	s30 =	sshll.u32 s1, $0x6;
	s17 =	sadd.s32 $0x4E000, s2;
	s19 =	smul.u32 $0x2710, s1  }
0xa: {  	p0 =	sne.s32 s1, $0xF;
	_ =	strace $0x8000004D;
	s31 =	smul.u32 $0x4E200, s8  }
0xb: {  	s6 =	ssub.s32 $0x2, s8;
	s9 =	sshll.u32 s8, $0x4;
	s18 =	smul.u32 $0x27100, s8  }
0xc: {  	s17 =	sshrl.u32 @!p0 s17, $0x3;
	s5 =	sshrl.u32 s10, $0x3;
	s11 =	sshrl.u32 s6, $0x1  }
0xd: {  	s9 =	sor.u32 s1, s9;
	s16 =	sadd.s32 s10, s2;
	s5 =	sadd.s32 s5, s7  }
0xe: {  	s15 =	ssub.s32 s6, s11;
	s9 =	smul.u32 $0x2710, s9;
	s6 =	sor.u32 $0x1C02, s30  }
0xf: {  	s7 =	sadd.s32 $0x2B200, s7;
	s10 =	sadd.s32 s10, s31;
	s11 =	sshrl.u32 s31, $0x3  }
0x10: {  	s18 =	sadd.s32 s19, s18;
	s19 =	simm.s32 $0x100;
	s5 =	sadd.s32 $0x21600, s5  }
0x11: {  	s10 =	sshrl.u32 s10, $0x3;
	s11 =	sadd.s32 s12, s11;
	s18 =	sshrl.u32 s18, $0x3  }
0x12: {  	s9 =	sshrl.u32 s9, $0x3;
	s10 =	sadd.s32 s12, s10;
	s11 =	sadd.s32 $0x9C00, s11  }
0x13: {  	s12 =	smax.u32 s15, $0x1;
	s15 =	sshrl.u32 s16, $0x3;
	s9 =	sadd.s32 $0x4E0, s9  }
0x14: {  	s16 =	simm.s32 $0x2;
	s8 =	sadd.s32 s14, s9;
	s9 =	sadd.s32 s13, s9  }
0x15: {  	s13 =	sadd.s32 s18, s13;
	s14 =	sadd.s32 s18, s14;
	s18 =	simm.s32 $0x80  }
.LBB2_1:
0x16: {  	[spmem:s15], [sflag:s6] =	dma.local [hbm:s5], $0x9C0  }
0x17: {  	_ =	swait.ge [sflag:s16], $0x9C0  }
0x18: {  	[sflag:s16] =	ssyncset.done $0x0  }
0x19: {  	s26 =	simm.s32 @!p0 $0x2;
	[sflag:s16] =	ssyncadd.s32 $0xFFFFF640  }
0x1a: {  	[spmem:s17], [sflag:s6] =	dma.local @!p0 [hbm:s7], $0x40  }
0x1b: {  	_ =	swait.ge @!p0 [sflag:s26], $0x40  }
0x1c: {  	[sflag:s26] =	ssyncset.done @!p0 $0x0  }
0x1d: {  	[sflag:s26] =	ssyncadd.s32 @!p0 $0xFFFFFFC0  }
0x1e: {  	s30 =	sadd.s32 $0x0, s14;
	[bflag:$0x0] =	sbarrier.arrive $0xFFFF  }
0x1f: {  	[tilespmem:s3], [sflag:$0x2] =	stream.linear.gather [hbm4b:s30+s3], $0x80, $0x38;
	[tilespmem:$0x6140] =	vst v63  }
0x20: {  	_ =	swait.ge [sflag:s16], $0x80  }
0x21: {  	[sflag:s16] =	ssyncset.done $0x0  }
0x22: {  	s31 =	sadd.s32 $0x0, s13;
	[sflag:s16] =	ssyncadd.s32 $0xFFFFFF80  }
0x23: {  	[tilespmem:s18], [sflag:$0x2] =	stream.linear.gather [hbm4b:s31+s3], $0x80, $0x38;
	[tilespmem:$0x6140] =	vst v63  }
0x24: {  	_ =	swait.ge [sflag:s16], $0x80  }
0x25: {  	[sflag:s16] =	ssyncset.done $0x0  }
0x26: {  	[sflag:s16] =	ssyncadd.s32 $0xFFFFFF80  }
0x27: {  	[tilespmem:s19], [sflag:$0x1] =	stream.indirect.gather [hbm4b:s4+s18], $0x20, s3, s18, $0xb8;
	[tilespmem:$0x6140] =	vst v63  }
0x28: {  	_ =	swait.ge [sflag:s20], $0x1000  }
0x29: {  	[sflag:s20] =	ssyncset.done $0x0  }
0x2a: {  	[sflag:s20] =	ssyncadd.s32 $0xFFFFF000  }
0x2b: {  	[spmem:s2] =	stream.indirect.scatter.add.f32 [tilespmem:s19], [sflag:$0x2], $0x20, s18, s18, $0xb8;
	[tilespmem:$0x6140] =	vst v63  }
0x2c: {  	_ =	swait.ge [sflag:s16], $0x1000  }
0x2d: {  	s28 =	simm.s32 $0x20;
	s26 =	simm.s32 $0x10;
	[sflag:s16] =	ssyncset.done $0x0  }
.LBB2_2:
0x2e: {  	s29 =	sadd.s32 s26, s14  }
0x2f: {  	[sflag:s16] =	ssyncadd.s32 $0xFFFFF000;
	s30 =	smov.u32 s28;
	s31 =	sadd.s32 $0x10, s28  }
0x30: {  	[tilespmem:s3], [sflag:$0x2] =	stream.linear.gather [hbm4b:s29+s3], $0x80, $0x38;
	[tilespmem:$0x6140] =	vst v63  }
0x31: {  	p1 =	sne.s32 s28, $0x4D0;
	_ =	swait.ge [sflag:s16], $0x80  }
0x32: {  	[sflag:s16] =	ssyncset.done $0x0  }
0x33: {  	s28 =	sadd.s32 s26, s13;
	s26 =	smov.u32 s30;
	[sflag:s16] =	ssyncadd.s32 $0xFFFFFF80  }
0x34: {  	[tilespmem:s18], [sflag:$0x2] =	stream.linear.gather [hbm4b:s28+s3], $0x80, $0x38;
	[tilespmem:$0x6140] =	vst v63  }
0x35: {  	_ =	swait.ge [sflag:s16], $0x80  }
0x36: {  	[sflag:s16] =	ssyncset.done $0x0  }
0x37: {  	[sflag:s16] =	ssyncadd.s32 $0xFFFFFF80  }
0x38: {  	[tilespmem:s19], [sflag:$0x1] =	stream.indirect.gather [hbm4b:s4+s18], $0x20, s3, s18, $0xb8;
	[tilespmem:$0x6140] =	vst v63  }
0x39: {  	_ =	swait.ge [sflag:s20], $0x1000  }
.Ltmp0:
0x3a: {  	[sflag:s20] =	ssyncset.done $0x0;
	(pc) =	sbr.rel @p1 .LBB2_2-.Ltmp0, $4  }
0x3b: {  	[sflag:s20] =	ssyncadd.s32 $0xFFFFF000  }
0x3c: {  	[spmem:s2] =	stream.indirect.scatter.add.f32 [tilespmem:s19], [sflag:$0x2], $0x20, s18, s18, $0xb8;
	[tilespmem:$0x6140] =	vst v63  }
0x3d: {  	_ =	swait.ge [sflag:s16], $0x1000  }
0x3e: {  	s28 =	smov.u32 s31;
	[sflag:s16] =	ssyncset.done $0x0  }
0x3f: {  	s28 =	sadd.s32 s26, s14;
	[sflag:s16] =	ssyncadd.s32 $0xFFFFF000  }
0x40: {  	[tilespmem:s3], [sflag:$0x2] =	stream.linear.gather [hbm4b:s28+s3], $0x80, $0x38;
	[tilespmem:$0x6140] =	vst v63  }
0x41: {  	_ =	swait.ge [sflag:s16], $0x80  }
0x42: {  	[sflag:s16] =	ssyncset.done $0x0  }
0x43: {  	s31 =	sadd.s32 s26, s13;
	[sflag:s16] =	ssyncadd.s32 $0xFFFFFF80  }
0x44: {  	[tilespmem:s18], [sflag:$0x2] =	stream.linear.gather [hbm4b:s31+s3], $0x80, $0x38;
	[tilespmem:$0x6140] =	vst v63  }
0x45: {  	_ =	swait.ge [sflag:s16], $0x80  }
0x46: {  	[sflag:s16] =	ssyncset.done $0x0  }
0x47: {  	[sflag:s16] =	ssyncadd.s32 $0xFFFFFF80  }
0x48: {  	[tilespmem:s19], [sflag:$0x1] =	stream.indirect.gather [hbm4b:s4+s18], $0x20, s3, s18, $0xb8;
	[tilespmem:$0x6140] =	vst v63  }
0x49: {  	_ =	swait.ge [sflag:s20], $0x1000  }
0x4a: {  	[sflag:s20] =	ssyncset.done $0x0  }
0x4b: {  	[sflag:s20] =	ssyncadd.s32 $0xFFFFF000  }
0x4c: {  	[spmem:s2] =	stream.indirect.scatter.add.f32 [tilespmem:s19], [sflag:$0x2], $0x20, s18, s18, $0xb8;
	[tilespmem:$0x6140] =	vst v63  }
0x4d: {  	_ =	swait.ge [sflag:s16], $0x1000  }
0x4e: {  	[sflag:s16] =	ssyncset.done $0x0  }
0x4f: {  	[sflag:s16] =	ssyncadd.s32 $0xFFFFF000  }
0x50: {  	[tilespmem:s21], [sflag:$0x2] =	stream.linear.gather [hbm4b:s8+s3], $0x10, $0x38;
	[tilespmem:$0x6140] =	vst v63  }
0x51: {  	_ =	swait.ge [sflag:s16], $0x10  }
0x52: {  	[sflag:s16] =	ssyncset.done $0x0  }
0x53: {  	[sflag:s16] =	ssyncadd.s32 $0xFFFFFFF0  }
0x54: {  	[tilespmem:s22], [sflag:$0x2] =	stream.linear.gather [hbm4b:s9+s3], $0x10, $0x38;
	[tilespmem:$0x6140] =	vst v63  }
0x55: {  	_ =	swait.ge [sflag:s16], $0x10  }
0x56: {  	[sflag:s16] =	ssyncset.done $0x0  }
0x57: {  	[sflag:s16] =	ssyncadd.s32 $0xFFFFFFF0  }
0x58: {  	[tilespmem:s24], [sflag:$0x1] =	stream.indirect.gather [hbm4b:s4+s23], $0x20, s21, s23, $0xb8;
	[tilespmem:$0x6140] =	vst v63  }
0x59: {  	_ =	swait.ge [sflag:s20], $0x200  }
0x5a: {  	[sflag:s20] =	ssyncset.done $0x0  }
0x5b: {  	[sflag:s20] =	ssyncadd.s32 $0xFFFFFE00  }
0x5c: {  	[spmem:s2] =	stream.indirect.scatter.add.f32 [tilespmem:s24], [sflag:$0x2], $0x20, s22, s23, $0xb8;
	[tilespmem:$0x6140] =	vst v63  }
0x5d: {  	_ =	swait.ge [sflag:s16], $0x200  }
0x5e: {  	[sflag:s16] =	ssyncset.done $0x0  }
0x5f: {  	[sflag:s16] =	ssyncadd.s32 $0xFFFFFE00  }
0x60: {  	[bflag:$0x0] =	sbarrier.arrive $0xFFFF  }
0x61: {  	[hbm:s10], [sflag:s6] =	dma.local [spmem:s15], $0x9C0  }
0x62: {  	s25 =	sadd.s32 $0x1, s25;
	_ =	swait.ge [sflag:s16], $0x9C0  }
0x63: {  	p1 =	sne.s32 s25, s12;
	[sflag:s16] =	ssyncset.done $0x0  }
.Ltmp1:
0x64: {  	s26 =	simm.s32 @!p0 $0x2;
	[sflag:s16] =	ssyncadd.s32 $0xFFFFF640;
	(pc) =	sbr.rel @p1 .LBB2_1-.Ltmp1, $4  }
0x65: {  	[hbm:s11], [sflag:s6] =	dma.local @!p0 [spmem:s17], $0x40  }
0x66: {  	_ =	swait.ge @!p0 [sflag:s26], $0x40  }
0x67: {  	[sflag:s26] =	ssyncset.done @!p0 $0x0  }
0x68: {  	[sflag:s26] =	ssyncadd.s32 @!p0 $0xFFFFFFC0  }
0x69: {  	_ =	sfence.sel $0x180000  }
0x6a: {  	[bflag:$0x0] =	sbarrier.arrive $0xFFFF  }
0x6b: {  	p0 =	sne.s32 s1, $0x0;
	_ =	strace $0x9000004D  }
0x6c: {  	s0 =	sadd.s32 @!p0 $0x100000, s0;
	[bflag:$0x2] =	sbarrier.arrive $0xFFFF  }
0x6d: {  	[sflag:s0] =	ssyncadd.tile.s32 @!p0 $0x1;
	_ =	shalt  }
.Lfunc_end2:
_tile_overlayer_lowered:
.L_overlay_start_2:
0x6e: {  	(tag) =	ssettag $0x2  }
0x6f: {  	s0 =	rddreg [dreg:$0x0];
	s2 =	stileid.u32  }
0x70: {  	s1 =	rddreg [dreg:$0x1];
	p0 =	sne.s32 s2, $0x0  }
0x71: {  	s3 =	rddreg [dreg:$0x2];
	[bflag:$0x3] =	sbarrier.arrive $0xFFFF;
	s2 =	simm.s32 @!p0 $0x1C02  }
0x72: {  	[timem:s3], [sflag:s2] =	dma.local @!p0 [hbm:s0], s1  }
0x73: {  	s0 =	simm.s32 @!p0 $0x2  }
0x74: {  	_ =	swait.ge @!p0 [sflag:s0], s1  }
0x75: {  	s1 =	ssub.s32 @!p0 $0x0, s1;
	[sflag:s0] =	ssyncset.done @!p0 $0x0  }
0x76: {  	[sflag:s0] =	ssyncadd.s32 @!p0 s1  }
0x77: {  	[bflag:$0x3] =	sbarrier.arrive $0xFFFF  }
0x78: {  	_ =	shalt  }

// kernel: kernel.8.cloned.1.call-start
scs
__scs_entry_jumppad:
0x0: {  	(pc) =	sbr.rel $0x88, $3  }
0x1: {  	(tag) =	ssettag $0x0;
	lr =	simm.s32 $0x1  }
0x2: {  	[smem:$0x3F88] =	sst lr;
	_ =	strace $0xD0000000  }
0x3: {  	_ = 	snop  }
0x4: {  	_ = 	snop  }
0x5: {  	_ = 	snop  }
0x6: {  	_ = 	snop  }
0x7: {  	_ = 	snop  }
__scs_overlays_trampoline_lowered:
0x8: {  	[smem:$0x3F97] =	sst s0  }
0x9: {  	[smem:$0x3F98] =	sst s1  }
0xa: {  	[smem:$0x3F99] =	sst s2  }
0xb: {  	[smem:$0x3F9A] =	sst s3  }
0xc: {  	[smem:$0x3F9B] =	sst s4  }
0xd: {  	[smem:$0x3F9C] =	sst s5  }
0xe: {  	[smem:$0x3F9D] =	sst s6  }
0xf: {  	[smem:$0x3F9E] =	sst s7  }
0x10: {  	[smem:$0x3F9F] =	sst s8  }
0x11: {  	[smem:$0x3FA0] =	sst s9;
	s0 =	simm.s32 @!p0 $0x0  }
0x12: {  	s1 =	sld [smem:$0x3F86];
	s0 =	simm.s32 @p0 $0x1  }
0x13: {  	[smem:$0x3FA1] =	sst s0;
	s0 =	simm.s32 @!p1 $0x0  }
0x14: {  	s2 =	sld [smem:$0x3F85];
	s0 =	simm.s32 @p1 $0x1  }
0x15: {  	[smem:$0x3FA2] =	sst s0;
	s0 =	simm.s32 @!p2 $0x0  }
0x16: {  	s3 =	sld [smem:$0x3FDB];
	s0 =	simm.s32 @p2 $0x1  }
0x17: {  	s4 =	simm.s32 $0x1BF5;
	[smem:$0x3FA4] =	sst s0  }
0x18: {  	s0 =	sld [smem:$0x3F87];
	_ =	swait.ge [sflag:s4], $0x0  }
0x19: {  	s7 =	sld [smem:$0x3F88]  }
0x1a: {  	s8 =	sadd.s32 $0xFFFFE003, lr  }
0x1b: {  	s9 =	sadd.s32 $0xFFFFFEF7, lr;
	s5 =	simm.s32 $0xFFFFFFFF;
	p2 =	slt.u32 s8, $0xFFFFF086  }
0x1c: {  	p1 =	slt.u32 s9, $0xF7A;
	s5 =	simm.s32 @!p2 $0x0  }
0x1d: {  	s5 =	simm.s32 @p1 $0x1;
	p0 =	seq.s32 s7, s2  }
0x1e: {  	s7 =	smul.u32 @!p0 $0xF7A, s2;
	p2 =	seq.s32 @!p0 s5, $0x0  }
0x1f: {  	s9 =	smul.u32 $0xF7A, s1;
	s8 =	simm.s32 @!p0 $0x1BF5;
	p2 =	por !p2, p0  }
0x20: {  	[sflag:s8] =	ssyncset.s32 @!p0 $0xFFFFF086;
	s6 =	sadd.s32 @!p0 s3, s7;
	s7 =	simm.s32 @!p0 $0x108  }
0x21: {  	s3 =	sadd.s32 s3, s9;
	s6 =	sadd.s32 @!p0 $0x88, s6;
	s7 =	simm.s32 @p2 $0x1082  }
0x22: {  	[simem:s7], [sflag:s8] =	dma.local @!p0 [hbm:s6], $0xF7A  }
0x23: {  	s9 =	sor.u32 $0xD0000000, s2;
	s6 =	simm.s32 $0x108;
	_ =	swait.ge @!p0 [sflag:s8], $0x0  }
0x24: {  	s3 =	sadd.s32 $0x88, s3;
	s6 =	simm.s32 @!p1 $0x1082;
	[sflag:s4] =	ssyncset.s32 $0xFFFFF086  }
0x25: {  	[simem:s6], [sflag:s4] =	dma.local [hbm:s3], $0xF7A  }
0x26: {  	[smem:$0x3F88] =	sst s1;
	(tag) =	ssettag s2;
	_ =	strace s9  }
0x27: {  	s1 =	sld [smem:$0x3F98]  }
0x28: {  	s2 =	sld [smem:$0x3F99]  }
0x29: {  	s4 =	sld [smem:$0x3F9B]  }
0x2a: {  	p0 =	seq.s32 s5, $0x0;
	s5 =	sld [smem:$0x3F9C]  }
0x2b: {  	s6 =	sld [smem:$0x3F9D]  }
0x2c: {  	s7 =	sld [smem:$0x3F9E]  }
0x2d: {  	s3 =	simm.s32 $0x108;
	s8 =	sld [smem:$0x3F9F]  }
0x2e: {  	s3 =	simm.s32 @!p0 $0x1082;
	s9 =	sld [smem:$0x3FA0]  }
0x2f: {  	lr =	sadd.s32 s0, s3;
	s0 =	sld [smem:$0x3F97]  }
0x30: {  	s3 =	sld [smem:$0x3F9A]  }
0x31: {  	[smem:$0x3FA3] =	sst s10  }
0x32: {  	s10 =	sld [smem:$0x3FA1];
	_ =	sdelay $0x3  }
0x33: {  	p0 =	seq.s32 s10, $0x1;
	s10 =	sld [smem:$0x3FA3];
	_ =	sdelay $0x3  }
0x34: {  	[smem:$0x3FA3] =	sst s10  }
0x35: {  	s10 =	sld [smem:$0x3FA2];
	_ =	sdelay $0x3  }
0x36: {  	p1 =	seq.s32 s10, $0x1;
	s10 =	sld [smem:$0x3FA3];
	_ =	sdelay $0x3  }
0x37: {  	[smem:$0x3FA3] =	sst s10  }
0x38: {  	s10 =	sld [smem:$0x3FA4]  }
0x39: {  	_ = 	snop;
	(pc) =	sbr.ind lr, $3  }
0x3a: {  	_ = 	snop  }
0x3b: {  	_ = 	snop  }
0x3c: {  	p2 =	seq.s32 s10, $0x1;
	s10 =	sld [smem:$0x3FA3]  }
0x3d: {  	_ =	shalt  }
0x3e: {  	_ =	shalt  }
0x3f: {  	_ =	shalt  }
0x40: {  	_ =	shalt  }
0x41: {  	_ =	shalt  }
0x42: {  	_ =	shalt  }
0x43: {  	_ =	shalt  }
0x44: {  	_ =	shalt  }
0x45: {  	_ =	shalt  }
0x46: {  	_ =	shalt  }
0x47: {  	_ =	shalt  }
0x48: {  	_ =	shalt  }
0x49: {  	_ =	shalt  }
0x4a: {  	_ =	shalt  }
0x4b: {  	_ =	shalt  }
0x4c: {  	_ =	shalt  }
0x4d: {  	_ =	shalt  }
0x4e: {  	_ =	shalt  }
0x4f: {  	_ =	shalt  }
0x50: {  	_ =	shalt  }
0x51: {  	_ =	shalt  }
0x52: {  	_ =	shalt  }
0x53: {  	_ =	shalt  }
0x54: {  	_ =	shalt  }
0x55: {  	_ =	shalt  }
0x56: {  	_ =	shalt  }
0x57: {  	_ =	shalt  }
0x58: {  	_ =	shalt  }
0x59: {  	_ =	shalt  }
0x5a: {  	_ =	shalt  }
0x5b: {  	_ =	shalt  }
0x5c: {  	_ =	shalt  }
0x5d: {  	_ =	shalt  }
0x5e: {  	_ =	shalt  }
0x5f: {  	_ =	shalt  }
0x60: {  	_ =	shalt  }
0x61: {  	_ =	shalt  }
0x62: {  	_ =	shalt  }
0x63: {  	_ =	shalt  }
0x64: {  	_ =	shalt  }
0x65: {  	_ =	shalt  }
0x66: {  	_ =	shalt  }
0x67: {  	_ =	shalt  }
0x68: {  	_ =	shalt  }
0x69: {  	_ =	shalt  }
0x6a: {  	_ =	shalt  }
0x6b: {  	_ =	shalt  }
0x6c: {  	_ =	shalt  }
0x6d: {  	_ =	shalt  }
0x6e: {  	_ =	shalt  }
0x6f: {  	_ =	shalt  }
0x70: {  	_ =	shalt  }
0x71: {  	_ =	shalt  }
0x72: {  	_ =	shalt  }
0x73: {  	_ =	shalt  }
0x74: {  	_ =	shalt  }
0x75: {  	_ =	shalt  }
0x76: {  	_ =	shalt  }
0x77: {  	_ =	shalt  }
0x78: {  	_ =	shalt  }
0x79: {  	_ =	shalt  }
0x7a: {  	_ =	shalt  }
0x7b: {  	_ =	shalt  }
0x7c: {  	_ =	shalt  }
0x7d: {  	_ =	shalt  }
0x7e: {  	_ =	shalt  }
0x7f: {  	_ =	shalt  }
0x80: {  	_ =	shalt  }
0x81: {  	_ =	shalt  }
0x82: {  	_ =	shalt  }
0x83: {  	_ =	shalt  }
0x84: {  	_ =	shalt  }
0x85: {  	_ =	shalt  }
0x86: {  	_ =	shalt  }
0x87: {  	_ =	shalt  }
.Lfunc_end0:
.L_simem_size_0:
called_computation_lowered:
.L_overlay_start_0:
0x88: {  	s2 =	sld [smem:$0x3FD9]  }
0x89: {  	s3 =	sld [smem:$0x3FFE];
	_ =	sdelay $0x1  }
0x8a: {  	s1 =	srdreg.scid  }
0x8b: {  	s0 =	sand.u32 $0x1, s1  }
0x8c: {  	s17 =	sshll.u32 s0, $0xA;
	s2 =	sadd.s32 s3, s2  }
0x8d: {  	s2 =	sadd.s32 s2, s17  }
0x8e: {  	[smem:$0x3FAF] =	sst s2  }
0x8f: {  	_ = 	snop  }
0x90: {  	s2 =	sld [smem:$0x3FC9];
	(tm) =	ssettm $0x1  }
0x91: {  	s18 =	sld [smem:$0x3FFB];
	_ =	sdelay $0x3  }
0x92: {  	_ =	strace s18  }
0x93: {  	s3 =	sld [smem:$0x3FFC];
	_ =	sdelay $0x3  }
0x94: {  	_ =	strace s3  }
0x95: {  	s3 =	sld [smem:$0x3FFD];
	_ =	sdelay $0x3  }
0x96: {  	_ =	strace s3  }
0x97: {  	_ =	strace $0x8FFFFFFF  }
0x98: {  	s19 =	sld [smem:$0x3FDB];
	_ =	sdelay $0x1  }
0x99: {  	s4 =	simm.s32 $_scs_section_size  }
0x9a: {  	s5 =	simm.s32 $_size__tile_overlayer_lowered;
	s6 =	simm.s32 $_tile_overlayer_lowered  }
0x9b: {  	s22 =	simm.s32 $0x1BFF;
	s21 =	sshll.u32 s6, $0x1;
	s3 =	sadd.s32 s4, s19  }
0x9c: {  	s7 =	simm.s32 $0x0;
	s20 =	sshll.u32 s5, $0x1;
	s5 =	sadd.s32 s21, s3  }
0x9d: {  	[timem:s7], [sflag:s22] =	dma.local [hbm:s5], s20  }
0x9e: {  	_ =	swait.ge [sflag:s22], s20  }
0x9f: {  	s4 =	ssub.s32 $0x0, s20;
	[sflag:s22] =	ssyncset.done $0x0  }
0xa0: {  	[sflag:s22] =	ssyncadd.s32 s4;
	_ =	sdelay $0x1  }
0xa1: {  	s23 =	simm.s32 $0x1B8B  }
0xa2: {  	_ =	swait.ge [sflag:s23], $0x1  }
0xa3: {  	[sflag:s23] =	ssyncset.done $0x0  }
0xa4: {  	s25 =	simm.s32 $0x1B8E;
	s24 =	sld [smem:$0x3FFE];
	[sflag:s23] =	ssyncadd.s32 $0xFFFFFFFF  }
0xa5: {  	s26 =	simm.s32 $execute0_lowered;
	[smem:$0x3FD2] =	sst s25  }
0xa6: {  	s5 =	sshll.u32 s26, $0x1;
	_ =	strace $0x80000046;
	[dreg:$0x1] =	wrdreg $0xFFFFFFFF  }
0xa7: {  	s28 =	simm.s32 $_size_execute0_lowered;
	s3 =	sadd.s32 s3, s5;
	[dreg:$0x0] =	wrdreg $0x0  }
0xa8: {  	s5 =	sshll.u32 s28, $0x1;
	[dreg:$0x2] =	wrdreg s3  }
0xa9: {  	[dreg:$0x3] =	wrdreg s5  }
0xaa: {  	[dreg:$0x4] =	wrdreg $0xC0  }
0xab: {  	_ =	task [dreg:s7], $0x5FFFF  }
0xac: {  	[dreg:$0x1] =	wrdreg $0xFFFFFFFF  }
0xad: {  	[dreg:$0x0] =	wrdreg $0x60  }
0xae: {  	[dreg:$0x2] =	wrdreg s2  }
0xaf: {  	[dreg:$0x3] =	wrdreg s24  }
0xb0: {  	[dreg:$0x4] =	wrdreg $0x49200  }
0xb1: {  	[dreg:$0x5] =	wrdreg $0x9  }
0xb2: {  	_ =	task.clear_ibuf [dreg:s7], $0x6FFFF;
	_ =	strace $0x90000046  }
0xb3: {  	s29 =	simm.s32 $0x9;
	_ =	strace $0x80000048  }
0xb4: {  	_ =	swait.ge [sflag:s29], $0x1  }
0xb5: {  	[sflag:s29] =	ssyncadd.s32 $0xFFFFFFFF  }
0xb6: {  	_ =	strace $0x90000048  }
0xb7: {  	_ =	sfence  }
0xb8: {  	s30 =	sld [smem:$0x0];
	_ =	sdelay $0x2  }
0xb9: {  	s31 =	sshll.u32 s1, $0xD;
	s1 =	sshrl.u32 s1, $0x2  }
0xba: {  	s3 =	sand.u32 $0x4000, s31;
	s1 =	sadd.s32 s1, s30  }
0xbb: {  	s0 =	sor.u32 s3, s0;
	s1 =	sshll.u32 s1, $0x11  }
0xbc: {  	s0 =	sor.u32 s1, s0  }
0xbd: {  	s0 =	sadd.s32 $0x8F2B, s0  }
0xbe: {  	[sflag:s0] =	ssyncadd.remote.s32 $0x1  }
0xbf: {  	_ =	sfence.sel $0xFFFF  }
0xc0: {  	[dreg:$0x0] =	wrdreg $0xFFFFFFFF;
	(pc) =	sbr.abs _section_cstart, $3  }
0xc1: {  	[dreg:$0x1] =	wrdreg $0xFFFFFFFF  }
0xc2: {  	_ =	task.clear_ibuf [dreg:s7], $0x2FFFF;
	_ =	strace $0x9FFFFFFF  }
0xc3: {  	(tm) =	ssettm $0x7FFFFFFF  }
tec
execute0_lowered:
.L_overlay_start_1:
0x0: {  	(tag) =	ssettag $0x1  }
0x1: {  	s2 =	rddreg [dreg:$0x0]  }
0x2: {  	s7 =	rddreg [dreg:$0x1]  }
0x3: {  	s0 =	stileid.u32;
	s3 =	rddreg [dreg:$0x2]  }
0x4: {  	s1 =	rddreg [dreg:$0x3];
	s4 =	simm.s32 $0x0;
	s6 =	srdreg.scid  }
0x5: {  	s20 =	simm.s32 $0x1;
	s21 =	simm.s32 $0x4100;
	s22 =	simm.s32 $0x4110  }
0x6: {  	s23 =	simm.s32 $0x10;
	s24 =	simm.s32 $0x4120;
	s25 =	simm.s32 $0x0  }
0x7: {  	s10 =	smul.u32 $0x13800, s0;
	[smem:$0x7FF] =	sst s4;
	s8 =	sand.u32 $0x1, s6  }
0x8: {  	s14 =	sadd.s32 $0xDA00, s7;
	s13 =	sadd.s32 $0x3C00, s7;
	s12 =	sadd.s32 $0x3EA00, s7  }
0x9: {  	s17 =	sadd.s32 $0x138000, s3;
	s19 =	smul.u32 $0x2710, s0;
	p0 =	sne.s32 s0, $0xF  }
0xa: {  	s30 =	sshll.u32 s0, $0x6;
	_ =	strace $0x80000047;
	s31 =	smul.u32 $0x138800, s8  }
0xb: {  	s6 =	ssub.s32 $0x2, s8;
	s9 =	sshll.u32 s8, $0x4;
	s18 =	smul.u32 $0x27100, s8  }
0xc: {  	s17 =	sshrl.u32 @!p0 s17, $0x3;
	s5 =	sshrl.u32 s10, $0x3;
	s11 =	sshrl.u32 s6, $0x1  }
0xd: {  	s9 =	sor.u32 s0, s9;
	s16 =	sadd.s32 s10, s3;
	s5 =	sadd.s32 s5, s7  }
0xe: {  	s15 =	ssub.s32 s6, s11;
	s9 =	smul.u32 $0x2710, s9;
	s6 =	sor.u32 $0x1C02, s30  }
0xf: {  	s7 =	sadd.s32 $0x3E800, s7;
	s10 =	sadd.s32 s10, s31;
	s11 =	sshrl.u32 s31, $0x3  }
0x10: {  	s18 =	sadd.s32 s19, s18;
	s19 =	simm.s32 $0x100;
	s5 =	sadd.s32 $0x17800, s5  }
0x11: {  	s10 =	sshrl.u32 s10, $0x3;
	s11 =	sadd.s32 s12, s11;
	s18 =	sshrl.u32 s18, $0x3  }
0x12: {  	s9 =	sshrl.u32 s9, $0x3;
	s10 =	sadd.s32 s12, s10;
	s11 =	sadd.s32 $0x27000, s11  }
0x13: {  	s12 =	smax.u32 s15, $0x1;
	s15 =	sshrl.u32 s16, $0x3;
	s9 =	sadd.s32 $0x4E0, s9  }
0x14: {  	s16 =	simm.s32 $0x2;
	s8 =	sadd.s32 s14, s9;
	s9 =	sadd.s32 s13, s9  }
0x15: {  	s13 =	sadd.s32 s18, s13;
	s14 =	sadd.s32 s18, s14;
	s18 =	simm.s32 $0x80  }
.LBB2_1:
0x16: {  	[spmem:s15], [sflag:s6] =	dma.local [hbm:s5], $0x2700  }
0x17: {  	_ =	swait.ge [sflag:s16], $0x2700  }
0x18: {  	[sflag:s16] =	ssyncset.done $0x0  }
0x19: {  	s26 =	simm.s32 @!p0 $0x2;
	[sflag:s16] =	ssyncadd.s32 $0xFFFFD900  }
0x1a: {  	[spmem:s17], [sflag:s6] =	dma.local @!p0 [hbm:s7], $0x100  }
0x1b: {  	_ =	swait.ge @!p0 [sflag:s26], $0x100  }
0x1c: {  	[sflag:s26] =	ssyncset.done @!p0 $0x0  }
0x1d: {  	[sflag:s26] =	ssyncadd.s32 @!p0 $0xFFFFFF00  }
0x1e: {  	s30 =	sadd.s32 $0x0, s14;
	[bflag:$0x0] =	sbarrier.arrive $0xFFFF  }
0x1f: {  	[tilespmem:s4], [sflag:$0x2] =	stream.linear.gather [hbm4b:s30+s4], $0x80, $0x38;
	[tilespmem:$0x181A0] =	vst v63  }
0x20: {  	_ =	swait.ge [sflag:s16], $0x80  }
0x21: {  	[sflag:s16] =	ssyncset.done $0x0  }
0x22: {  	s31 =	sadd.s32 $0x0, s13;
	[sflag:s16] =	ssyncadd.s32 $0xFFFFFF80  }
0x23: {  	[tilespmem:s18], [sflag:$0x2] =	stream.linear.gather [hbm4b:s31+s4], $0x80, $0x38;
	[tilespmem:$0x181A0] =	vst v63  }
0x24: {  	_ =	swait.ge [sflag:s16], $0x80  }
0x25: {  	[sflag:s16] =	ssyncset.done $0x0  }
0x26: {  	[sflag:s16] =	ssyncadd.s32 $0xFFFFFF80  }
0x27: {  	[tilespmem:s19], [sflag:$0x1] =	stream.indirect.gather [hbm4b:s2+s18], $0x80, s4, s18, $0xb8;
	[tilespmem:$0x181A0] =	vst v63  }
0x28: {  	_ =	swait.ge [sflag:s20], $0x4000  }
0x29: {  	[sflag:s20] =	ssyncset.done $0x0  }
0x2a: {  	[sflag:s20] =	ssyncadd.s32 $0xFFFFC000  }
0x2b: {  	[spmem:s3] =	stream.indirect.scatter.add.f32 [tilespmem:s19], [sflag:$0x2], $0x80, s18, s18, $0xb8;
	[tilespmem:$0x181A0] =	vst v63  }
0x2c: {  	_ =	swait.ge [sflag:s16], $0x4000  }
0x2d: {  	s28 =	simm.s32 $0x20;
	s26 =	simm.s32 $0x10;
	[sflag:s16] =	ssyncset.done $0x0  }
.LBB2_2:
0x2e: {  	s29 =	sadd.s32 s26, s14  }
0x2f: {  	[sflag:s16] =	ssyncadd.s32 $0xFFFFC000;
	s30 =	smov.u32 s28;
	s31 =	sadd.s32 $0x10, s28  }
0x30: {  	[tilespmem:s4], [sflag:$0x2] =	stream.linear.gather [hbm4b:s29+s4], $0x80, $0x38;
	[tilespmem:$0x181A0] =	vst v63  }
0x31: {  	p1 =	sne.s32 s28, $0x4D0;
	_ =	swait.ge [sflag:s16], $0x80  }
0x32: {  	[sflag:s16] =	ssyncset.done $0x0  }
0x33: {  	s28 =	sadd.s32 s26, s13;
	s26 =	smov.u32 s30;
	[sflag:s16] =	ssyncadd.s32 $0xFFFFFF80  }
0x34: {  	[tilespmem:s18], [sflag:$0x2] =	stream.linear.gather [hbm4b:s28+s4], $0x80, $0x38;
	[tilespmem:$0x181A0] =	vst v63  }
0x35: {  	_ =	swait.ge [sflag:s16], $0x80  }
0x36: {  	[sflag:s16] =	ssyncset.done $0x0  }
0x37: {  	[sflag:s16] =	ssyncadd.s32 $0xFFFFFF80  }
0x38: {  	[tilespmem:s19], [sflag:$0x1] =	stream.indirect.gather [hbm4b:s2+s18], $0x80, s4, s18, $0xb8;
	[tilespmem:$0x181A0] =	vst v63  }
0x39: {  	_ =	swait.ge [sflag:s20], $0x4000  }
.Ltmp0:
0x3a: {  	[sflag:s20] =	ssyncset.done $0x0;
	(pc) =	sbr.rel @p1 .LBB2_2-.Ltmp0, $4  }
0x3b: {  	[sflag:s20] =	ssyncadd.s32 $0xFFFFC000  }
0x3c: {  	[spmem:s3] =	stream.indirect.scatter.add.f32 [tilespmem:s19], [sflag:$0x2], $0x80, s18, s18, $0xb8;
	[tilespmem:$0x181A0] =	vst v63  }
0x3d: {  	_ =	swait.ge [sflag:s16], $0x4000  }
0x3e: {  	s28 =	smov.u32 s31;
	[sflag:s16] =	ssyncset.done $0x0  }
0x3f: {  	s28 =	sadd.s32 s26, s14;
	[sflag:s16] =	ssyncadd.s32 $0xFFFFC000  }
0x40: {  	[tilespmem:s4], [sflag:$0x2] =	stream.linear.gather [hbm4b:s28+s4], $0x80, $0x38;
	[tilespmem:$0x181A0] =	vst v63  }
0x41: {  	_ =	swait.ge [sflag:s16], $0x80  }
0x42: {  	[sflag:s16] =	ssyncset.done $0x0  }
0x43: {  	s31 =	sadd.s32 s26, s13;
	[sflag:s16] =	ssyncadd.s32 $0xFFFFFF80  }
0x44: {  	[tilespmem:s18], [sflag:$0x2] =	stream.linear.gather [hbm4b:s31+s4], $0x80, $0x38;
	[tilespmem:$0x181A0] =	vst v63  }
0x45: {  	_ =	swait.ge [sflag:s16], $0x80  }
0x46: {  	[sflag:s16] =	ssyncset.done $0x0  }
0x47: {  	[sflag:s16] =	ssyncadd.s32 $0xFFFFFF80  }
0x48: {  	[tilespmem:s19], [sflag:$0x1] =	stream.indirect.gather [hbm4b:s2+s18], $0x80, s4, s18, $0xb8;
	[tilespmem:$0x181A0] =	vst v63  }
0x49: {  	_ =	swait.ge [sflag:s20], $0x4000  }
0x4a: {  	[sflag:s20] =	ssyncset.done $0x0  }
0x4b: {  	[sflag:s20] =	ssyncadd.s32 $0xFFFFC000  }
0x4c: {  	[spmem:s3] =	stream.indirect.scatter.add.f32 [tilespmem:s19], [sflag:$0x2], $0x80, s18, s18, $0xb8;
	[tilespmem:$0x181A0] =	vst v63  }
0x4d: {  	_ =	swait.ge [sflag:s16], $0x4000  }
0x4e: {  	[sflag:s16] =	ssyncset.done $0x0  }
0x4f: {  	[sflag:s16] =	ssyncadd.s32 $0xFFFFC000  }
0x50: {  	[tilespmem:s21], [sflag:$0x2] =	stream.linear.gather [hbm4b:s8+s4], $0x10, $0x38;
	[tilespmem:$0x181A0] =	vst v63  }
0x51: {  	_ =	swait.ge [sflag:s16], $0x10  }
0x52: {  	[sflag:s16] =	ssyncset.done $0x0  }
0x53: {  	[sflag:s16] =	ssyncadd.s32 $0xFFFFFFF0  }
0x54: {  	[tilespmem:s22], [sflag:$0x2] =	stream.linear.gather [hbm4b:s9+s4], $0x10, $0x38;
	[tilespmem:$0x181A0] =	vst v63  }
0x55: {  	_ =	swait.ge [sflag:s16], $0x10  }
0x56: {  	[sflag:s16] =	ssyncset.done $0x0  }
0x57: {  	[sflag:s16] =	ssyncadd.s32 $0xFFFFFFF0  }
0x58: {  	[tilespmem:s24], [sflag:$0x1] =	stream.indirect.gather [hbm4b:s2+s23], $0x80, s21, s23, $0xb8;
	[tilespmem:$0x181A0] =	vst v63  }
0x59: {  	_ =	swait.ge [sflag:s20], $0x800  }
0x5a: {  	[sflag:s20] =	ssyncset.done $0x0  }
0x5b: {  	[sflag:s20] =	ssyncadd.s32 $0xFFFFF800  }
0x5c: {  	[spmem:s3] =	stream.indirect.scatter.add.f32 [tilespmem:s24], [sflag:$0x2], $0x80, s22, s23, $0xb8;
	[tilespmem:$0x181A0] =	vst v63  }
0x5d: {  	_ =	swait.ge [sflag:s16], $0x800  }
0x5e: {  	[sflag:s16] =	ssyncset.done $0x0  }
0x5f: {  	[sflag:s16] =	ssyncadd.s32 $0xFFFFF800  }
0x60: {  	[bflag:$0x0] =	sbarrier.arrive $0xFFFF  }
0x61: {  	[hbm:s10], [sflag:s6] =	dma.local [spmem:s15], $0x2700  }
0x62: {  	s25 =	sadd.s32 $0x1, s25;
	_ =	swait.ge [sflag:s16], $0x2700  }
0x63: {  	p1 =	sne.s32 s25, s12;
	[sflag:s16] =	ssyncset.done $0x0  }
.Ltmp1:
0x64: {  	s26 =	simm.s32 @!p0 $0x2;
	[sflag:s16] =	ssyncadd.s32 $0xFFFFD900;
	(pc) =	sbr.rel @p1 .LBB2_1-.Ltmp1, $4  }
0x65: {  	[hbm:s11], [sflag:s6] =	dma.local @!p0 [spmem:s17], $0x100  }
0x66: {  	_ =	swait.ge @!p0 [sflag:s26], $0x100  }
0x67: {  	[sflag:s26] =	ssyncset.done @!p0 $0x0  }
0x68: {  	[sflag:s26] =	ssyncadd.s32 @!p0 $0xFFFFFF00  }
0x69: {  	_ =	sfence.sel $0x180000  }
0x6a: {  	[bflag:$0x0] =	sbarrier.arrive $0xFFFF  }
0x6b: {  	p0 =	sne.s32 s0, $0x0;
	_ =	strace $0x90000047  }
0x6c: {  	s0 =	sadd.s32 @!p0 $0x100000, s1;
	[bflag:$0x2] =	sbarrier.arrive $0xFFFF  }
0x6d: {  	[sflag:s0] =	ssyncadd.tile.s32 @!p0 $0x1;
	_ =	shalt  }
.Lfunc_end2:
_tile_overlayer_lowered:
.L_overlay_start_2:
0x6e: {  	(tag) =	ssettag $0x2  }
0x6f: {  	s0 =	rddreg [dreg:$0x0];
	s2 =	stileid.u32  }
0x70: {  	s1 =	rddreg [dreg:$0x1];
	p0 =	sne.s32 s2, $0x0  }
0x71: {  	s3 =	rddreg [dreg:$0x2];
	[bflag:$0x3] =	sbarrier.arrive $0xFFFF;
	s2 =	simm.s32 @!p0 $0x1C02  }
0x72: {  	[timem:s3], [sflag:s2] =	dma.local @!p0 [hbm:s0], s1  }
0x73: {  	s0 =	simm.s32 @!p0 $0x2  }
0x74: {  	_ =	swait.ge @!p0 [sflag:s0], s1  }
0x75: {  	s1 =	ssub.s32 @!p0 $0x0, s1;
	[sflag:s0] =	ssyncset.done @!p0 $0x0  }
0x76: {  	[sflag:s0] =	ssyncadd.s32 @!p0 s1  }
0x77: {  	[bflag:$0x3] =	sbarrier.arrive $0xFFFF  }
0x78: {  	_ =	shalt  }

</sc_bundles>
